<compile_context>
chip_gen: v7x
topology: tpu7x:2x2x1
jax: 0.10.2.dev20260603
libtpu: 0.0.44.dev20260713+nightly
codegen_flags: <defaults>
</compile_context>

<pallas_src>
import functools

import jax
import jax.numpy as jnp
from jax import lax
from jax.experimental import pallas as pl
from jax.experimental.pallas import tpu as pltpu
from jax.experimental.pallas import tpu_sc as plsc

NC = 2
NS = 16
CHUNK = 128



@functools.cache
def _mesh():
    return plsc.VectorSubcoreMesh(core_axis_name="c", subcore_axis_name="s",
                                  num_cores=NC, num_subcores=NS)


def _ceil_to(x, m):
    return (x + m - 1) // m * m


def _sc_degree(ei3d_hbm, init_hbm, ones_hbm, out_hbm,
               acc_sp, dst_slab, ones_v, sem):
    c = lax.axis_index("c")
    s = lax.axis_index("s")
    np_rows = acc_sp.shape[0]
    rows_per = np_rows // NS
    n_chunks = ei3d_hbm.shape[1] // (NC * NS)
    r0 = s * rows_per
    w = c * NS + s
    pltpu.sync_copy(ei3d_hbm.at[1].at[pl.ds(w * n_chunks, n_chunks)], dst_slab)
    pltpu.sync_copy(init_hbm.at[c, pl.ds(r0, rows_per)],
                    acc_sp.at[pl.ds(r0, rows_per)])
    pltpu.sync_copy(ones_hbm, ones_v)
    plsc.subcore_barrier()

    grp = 8

    def body(j, carry):
        for b in range(grp):
            pltpu.async_copy(ones_v, acc_sp.at[dst_slab.at[j * grp + b]],
                             sem, add=True)
        for b in range(grp):
            pltpu.make_async_copy(ones_v, acc_sp.at[dst_slab.at[0]],
                                  sem).wait()
        return carry

    lax.fori_loop(0, n_chunks // grp, body, 0)
    plsc.subcore_barrier()
    pltpu.sync_copy(acc_sp.at[pl.ds(r0, rows_per)],
                    out_hbm.at[c, pl.ds(r0, rows_per)])


def _edge_pipeline(table_ref, acc_sp, src_slab, dst_slab, bufs,
                   gsems, n_chunks):

    def gather_desc(k, b):
        return pltpu.make_async_copy(table_ref.at[src_slab.at[k]],
                                     bufs.at[b], gsems[b])

    gather_desc(0, 0).start()

    def body(j, carry):
        for b in range(2):
            k = j * 2 + b
            nb = 1 - b

            @pl.when(k + 1 < n_chunks)
            def _():
                gather_desc(k + 1, nb).start()

            gather_desc(k, b).wait()
            pltpu.sync_copy(bufs.at[b], acc_sp.at[dst_slab.at[k]], add=True)
        return carry

    lax.fori_loop(0, n_chunks // 2, body, 0)


def _sc_edges_wide(table_hbm, ei3d_hbm, out_hbm,
                   acc_sp, src_slab, dst_slab, bufs, gs0, gs1):
    c = lax.axis_index("c")
    s = lax.axis_index("s")
    np_rows = acc_sp.shape[0]
    rows_per = np_rows // NS
    n_chunks = ei3d_hbm.shape[1] // NS
    r0 = s * rows_per
    pltpu.sync_copy(ei3d_hbm.at[0].at[pl.ds(s * n_chunks, n_chunks)], src_slab)
    pltpu.sync_copy(ei3d_hbm.at[1].at[pl.ds(s * n_chunks, n_chunks)], dst_slab)
    pltpu.sync_copy(table_hbm.at[c].at[pl.ds(r0, rows_per)],
                    acc_sp.at[pl.ds(r0, rows_per)])
    plsc.subcore_barrier()
    _edge_pipeline(table_hbm.at[c], acc_sp, src_slab, dst_slab, bufs,
                   [gs0, gs1], n_chunks)
    plsc.subcore_barrier()
    pltpu.sync_copy(acc_sp.at[pl.ds(r0, rows_per)],
                    out_hbm.at[c, pl.ds(r0, rows_per)])


def _sc_edges_narrow(z_hbm, ei3d_hbm, out_hbm,
                     acc_sp, src_slab, dst_slab, bufs, gs0, gs1):
    c = lax.axis_index("c")
    s = lax.axis_index("s")
    np_rows = acc_sp.shape[0]
    rows_per = np_rows // NS
    n_chunks = ei3d_hbm.shape[1] // (NC * NS)
    r0 = s * rows_per
    w = c * NS + s
    pltpu.sync_copy(ei3d_hbm.at[0].at[pl.ds(w * n_chunks, n_chunks)], src_slab)
    pltpu.sync_copy(ei3d_hbm.at[1].at[pl.ds(w * n_chunks, n_chunks)], dst_slab)
    pltpu.sync_copy(z_hbm.at[pl.ds(r0, rows_per)],
                    acc_sp.at[pl.ds(r0, rows_per)])
    plsc.subcore_barrier()
    _edge_pipeline(z_hbm, acc_sp, src_slab, dst_slab, bufs,
                   [gs0, gs1], n_chunks)
    plsc.subcore_barrier()
    pltpu.sync_copy(acc_sp.at[pl.ds(r0, rows_per)],
                    out_hbm.at[c, pl.ds(r0, rows_per)])


def _tc_scale_in(x_ref, w1_ref, deg_ref, t_ref, dis_ref):
    deg = deg_ref[0, :, 0:1] + deg_ref[1, :, 0:1]
    dis = lax.rsqrt(deg)
    h = jnp.dot(x_ref[...], w1_ref[...], precision=lax.Precision.HIGHEST,
                preferred_element_type=jnp.float32)
    hp = h * dis
    t_ref[0] = hp[:, :64].astype(t_ref.dtype)
    t_ref[1] = hp[:, 64:].astype(t_ref.dtype)
    dis_ref[...] = jnp.broadcast_to(dis, dis_ref.shape)


def _tc_mid(agg_ref, dis_ref, b1_ref, w2_ref, z_ref):
    dis = dis_ref[:, 0:1]
    agg = jnp.concatenate([agg_ref[0], agg_ref[1]], axis=1).astype(jnp.float32)
    out1 = jnp.maximum(agg * dis + b1_ref[...], 0.0)
    z_ref[...] = jnp.dot(out1 * dis, w2_ref[...],
                         precision=lax.Precision.HIGHEST,
                         preferred_element_type=jnp.float32)


def _tc_combine_pool(p_ref, z_ref, dis_ref, b2_ref, batch_ref,
                     out_ref, *, n, g):
    dis = dis_ref[:, 0:1]
    agg = p_ref[0] + p_ref[1] - z_ref[...]
    h2 = agg * dis + b2_ref[...]
    h2 = h2[:n, :]
    gids = lax.broadcasted_iota(jnp.int32, (g, n), 0)
    onehot = (gids == batch_ref[...]).astype(jnp.float32)
    out_ref[...] = jnp.dot(onehot, h2, precision=lax.Precision.HIGHEST,
                           preferred_element_type=jnp.float32)


def kernel(x, edge_index, batch, W1, b1, W2, b2):
    n, d_in = x.shape
    d_hid = W1.shape[1]
    d_out = W2.shape[1]
    g = 64
    e = edge_index.shape[1]
    f32 = jnp.float32

    n_pad = _ceil_to(n, NS * CHUNK)
    e_pad = _ceil_to(e, 2 * NC * NS * CHUNK)
    dh = d_hid // NC

    x_p = jnp.pad(x, ((0, n_pad - n), (0, 0)))
    ei3d = jnp.pad(edge_index.astype(jnp.int32), ((0, 0), (0, e_pad - e)),
                   constant_values=n).reshape(2, e_pad // CHUNK, CHUNK)
    deg_init = jnp.stack([jnp.ones((n_pad, 16), f32),
                          jnp.zeros((n_pad, 16), f32)])
    ones_rows = jnp.ones((CHUNK, 16), f32)
    b1_r = b1.reshape(1, d_hid)
    b2_r = b2.reshape(1, d_out)
    batch_r = batch.astype(jnp.int32).reshape(1, n)

    n_chunks3 = e_pad // CHUNK // NS
    n_chunks5 = e_pad // CHUNK // (NC * NS)

    sc_params = pltpu.CompilerParams(use_tc_tiling_on_sc=False)

    deg_parts = pl.kernel(
        _sc_degree,
        out_type=jax.ShapeDtypeStruct((NC, n_pad, 16), f32),
        mesh=_mesh(),
        compiler_params=sc_params,
        scratch_types=[
            pltpu.VMEM_SHARED((n_pad, 16), f32),
            pltpu.VMEM((n_chunks5, CHUNK), jnp.int32),
            pltpu.VMEM((CHUNK, 16), f32),
            pltpu.SemaphoreType.DMA,
        ],
    )(ei3d, deg_init, ones_rows)

    rows_blk = n_pad // 8
    table, dis8 = pl.pallas_call(
        _tc_scale_in,
        grid=(8,),
        in_specs=[
            pl.BlockSpec((rows_blk, d_in), lambda i: (i, 0)),
            pl.BlockSpec((d_in, d_hid), lambda i: (0, 0)),
            pl.BlockSpec((NC, rows_blk, 16), lambda i: (0, i, 0)),
        ],
        out_specs=[
            pl.BlockSpec((NC, rows_blk, dh), lambda i: (0, i, 0)),
            pl.BlockSpec((rows_blk, 8), lambda i: (i, 0)),
        ],
        out_shape=[
            jax.ShapeDtypeStruct((NC, n_pad, dh), jnp.bfloat16),
            jax.ShapeDtypeStruct((n_pad, 8), f32),
        ],
    )(x_p, W1, deg_parts)

    agg1 = pl.kernel(
        _sc_edges_wide,
        out_type=jax.ShapeDtypeStruct((NC, n_pad, dh), jnp.bfloat16),
        mesh=_mesh(),
        compiler_params=sc_params,
        scratch_types=[
            pltpu.VMEM_SHARED((n_pad, dh), jnp.bfloat16),
            pltpu.VMEM((n_chunks3, CHUNK), jnp.int32),
            pltpu.VMEM((n_chunks3, CHUNK), jnp.int32),
            pltpu.VMEM((2, CHUNK, dh), jnp.bfloat16),
            pltpu.SemaphoreType.DMA,
            pltpu.SemaphoreType.DMA,
        ],
    )(table, ei3d)

    z = pl.pallas_call(
        _tc_mid,
        grid=(8,),
        in_specs=[
            pl.BlockSpec((NC, rows_blk, dh), lambda i: (0, i, 0)),
            pl.BlockSpec((rows_blk, 8), lambda i: (i, 0)),
            pl.BlockSpec((1, d_hid), lambda i: (0, 0)),
            pl.BlockSpec((d_hid, d_out), lambda i: (0, 0)),
        ],
        out_specs=pl.BlockSpec((rows_blk, d_out), lambda i: (i, 0)),
        out_shape=jax.ShapeDtypeStruct((n_pad, d_out), f32),
    )(agg1, dis8, b1_r, W2)

    agg2 = pl.kernel(
        _sc_edges_narrow,
        out_type=jax.ShapeDtypeStruct((NC, n_pad, d_out), f32),
        mesh=_mesh(),
        compiler_params=sc_params,
        scratch_types=[
            pltpu.VMEM_SHARED((n_pad, d_out), f32),
            pltpu.VMEM((n_chunks5, CHUNK), jnp.int32),
            pltpu.VMEM((n_chunks5, CHUNK), jnp.int32),
            pltpu.VMEM((2, CHUNK, d_out), f32),
            pltpu.SemaphoreType.DMA,
            pltpu.SemaphoreType.DMA,
        ],
    )(z, ei3d)

    out = pl.pallas_call(
        functools.partial(_tc_combine_pool, n=n, g=g),
        in_specs=[
            pl.BlockSpec((NC, n_pad, d_out), lambda: (0, 0, 0)),
            pl.BlockSpec((n_pad, d_out), lambda: (0, 0)),
            pl.BlockSpec((n_pad, 8), lambda: (0, 0)),
            pl.BlockSpec((1, d_out), lambda: (0, 0)),
            pl.BlockSpec((1, n), lambda: (0, 0)),
        ],
        out_specs=pl.BlockSpec((g, d_out), lambda: (0, 0)),
        out_shape=jax.ShapeDtypeStruct((g, d_out), f32),
    )(agg2, z, dis8, b2_r, batch_r)

    return out

# --- scband reference (transcript-rebuilt; emitter-appended) ---
"""Pipeline reference for scband-graph-classifier-44238163149209 (READ-ONLY COPY).

The authoritative reference and input builder live on the scoring server;
editing this copy changes nothing except your own understanding.
"""

import jax, jax.numpy as jnp
import numpy as np

N = 10000
E = 320000
D_IN = 128
D_HID = 128
D_OUT = 16
G = 64


def gcn_conv(x, src, dst, W, b, n):
    # PyG GCNConv: linear transform, symmetric deg^{-1/2} normalization, scatter-add, bias
    h = x @ W
    deg = jax.ops.segment_sum(jnp.ones(src.shape[0], dtype=x.dtype), dst, num_segments=n)
    dis = jnp.where(deg > 0, 1.0 / jnp.sqrt(jnp.maximum(deg, 1e-12)), 0.0)
    norm = dis[src] * dis[dst]
    msg = h[src] * norm[:, None]
    out = jax.ops.segment_sum(msg, dst, num_segments=n)
    return out + b


def setup_inputs(seed: int = 0) -> dict:
    key = jax.random.key(seed)
    ks = jax.random.split(key, 6)
    x = jax.random.normal(ks[0], (N, D_IN), dtype=jnp.float32)
    edge_index = jax.random.randint(ks[1], (2, E), 0, N)
    batch = jnp.sort(jax.random.randint(ks[2], (N,), 0, G))
    W1 = jax.random.normal(ks[3], (D_IN, D_HID), dtype=jnp.float32) * (1.0 / np.sqrt(D_IN))
    b1 = jnp.zeros((D_HID,), dtype=jnp.float32)
    W2 = jax.random.normal(ks[4], (D_HID, D_OUT), dtype=jnp.float32) * (1.0 / np.sqrt(D_HID))
    b2 = jnp.zeros((D_OUT,), dtype=jnp.float32)
    return {"x": x, "edge_index": edge_index, "batch": batch, "W1": W1, "b1": b1, "W2": W2, "b2": b2}


def reference(x, edge_index, batch, W1, b1, W2, b2):
    n = x.shape[0]
    # add self-loops (GCNConv default)
    loop = jnp.arange(n, dtype=edge_index.dtype)
    src = jnp.concatenate([edge_index[0], loop])
    dst = jnp.concatenate([edge_index[1], loop])
    h = gcn_conv(x, src, dst, W1, b1, n)
    h = jax.nn.relu(h)
    h = gcn_conv(h, src, dst, W2, b2, n)
    # global_add_pool over graph ids
    out = jax.ops.segment_sum(h, batch, num_segments=G)
    return out

if __name__ == "__main__":
    import jax
    _d = setup_inputs()
    print(jax.jit(kernel)(*tuple(_d.values())))

</pallas_src>

<mosaic_0001>
#map = affine_map<(d0, d1) -> (0, 0, 0)>
module attributes {stable_mosaic.version = 14 : i64} {
  func.func @_sc_edges_wide(%arg0: i32, %arg1: i32, %arg2: memref<2x10240x64xbf16, #tpu.memory_space<hbm>>, %arg3: memref<2x2560x128xi32, #tpu.memory_space<hbm>>, %arg4: memref<2x10240x64xbf16, #tpu.memory_space<hbm>>, %arg5: memref<10240x64xbf16, #tpu.memory_space<vmem_shared>>, %arg6: memref<160x128xi32, #tpu.memory_space<vmem>>, %arg7: memref<160x128xi32, #tpu.memory_space<vmem>>, %arg8: memref<2x128x64xbf16, #tpu.memory_space<vmem>>, %arg9: memref<!tpu.dma_semaphore, #tpu.memory_space<semaphore_mem>>, %arg10: memref<!tpu.dma_semaphore, #tpu.memory_space<semaphore_mem>>) attributes {dimension_semantics = [#tpu.dimension_semantics<core_parallel>, #tpu.dimension_semantics<subcore_parallel>], iteration_bounds = array<i64: 2, 16>, scalar_prefetch = 0 : i64, scratch_operands = 6 : i64, tpu.core_type = #tpu.core_type<sc_vector_subcore>, window_params = [{transform_indices = #map}, {transform_indices = #map}, {transform_indices = #map}]} {
    %mul3A = arith.constant 640 : i32
    %mul3A_0 = arith.muli %arg1, %mul3A : i32
    %mul3A_1 = arith.constant 160 : i32
    %mul3A_2 = arith.muli %arg1, %mul3A_1 : i32
    %run_scoped3A = arith.constant 0 : i32
    "tpu.region"() ({
      %run_scoped3A_27 = tpu.sem_alloc : memref<!tpu.dma_semaphore, #tpu.memory_space<semaphore_mem>>
      %dma_start3A_28 = arith.constant 0 : i32
      %dma_start3A_29 = arith.constant 0 : i32
      %dma_start3A_30 = tpu.memref_slice %arg3[%run_scoped3A, %dma_start3A_28, %dma_start3A_29] : memref<2x2560x128xi32, #tpu.memory_space<hbm>> -> memref<1x2560x128xi32, #tpu.memory_space<hbm>>
      %dma_start3A_31 = tpu.memref_squeeze %dma_start3A_30 : memref<1x2560x128xi32, #tpu.memory_space<hbm>> -> memref<2560x128xi32, #tpu.memory_space<hbm>>
      %dma_start3A_32 = arith.constant 0 : i32
      %dma_start3A_33 = tpu.memref_slice %dma_start3A_31[%mul3A_2, %dma_start3A_32] : memref<2560x128xi32, #tpu.memory_space<hbm>> -> memref<160x128xi32, #tpu.memory_space<hbm>>
      %dma_start3A_34 = arith.constant 0 : i32
      %dma_start3A_35 = arith.constant 0 : i32
      %dma_start3A_36 = tpu.memref_slice %arg3[%run_scoped3A, %dma_start3A_34, %dma_start3A_35] : memref<2x2560x128xi32, #tpu.memory_space<hbm>> -> memref<1x2560x128xi32, #tpu.memory_space<hbm>>
      %dma_start3A_37 = tpu.memref_squeeze %dma_start3A_36 : memref<1x2560x128xi32, #tpu.memory_space<hbm>> -> memref<2560x128xi32, #tpu.memory_space<hbm>>
      %dma_start3A_38 = arith.constant 0 : i32
      %dma_start3A_39 = tpu.memref_slice %dma_start3A_37[%mul3A_2, %dma_start3A_38] : memref<2560x128xi32, #tpu.memory_space<hbm>> -> memref<160x128xi32, #tpu.memory_space<hbm>>
      tpu.enqueue_dma source(%dma_start3A_39 : memref<160x128xi32, #tpu.memory_space<hbm>>) target(%arg6 : memref<160x128xi32, #tpu.memory_space<vmem>>) target_semaphore(%run_scoped3A_27 : memref<!tpu.dma_semaphore, #tpu.memory_space<semaphore_mem>>)
      %dma_wait3A = arith.constant 0 : i32
      %dma_wait3A_40 = arith.constant 0 : i32
      %dma_wait3A_41 = tpu.memref_slice %arg3[%run_scoped3A, %dma_wait3A, %dma_wait3A_40] : memref<2x2560x128xi32, #tpu.memory_space<hbm>> -> memref<1x2560x128xi32, #tpu.memory_space<hbm>>
      %dma_wait3A_42 = tpu.memref_squeeze %dma_wait3A_41 : memref<1x2560x128xi32, #tpu.memory_space<hbm>> -> memref<2560x128xi32, #tpu.memory_space<hbm>>
      %dma_wait3A_43 = arith.constant 0 : i32
      %dma_wait3A_44 = tpu.memref_slice %dma_wait3A_42[%mul3A_2, %dma_wait3A_43] : memref<2560x128xi32, #tpu.memory_space<hbm>> -> memref<160x128xi32, #tpu.memory_space<hbm>>
      %dma_wait3A_45 = arith.constant 0 : i32
      %dma_wait3A_46 = arith.constant 0 : i32
      %dma_wait3A_47 = tpu.memref_slice %arg3[%run_scoped3A, %dma_wait3A_45, %dma_wait3A_46] : memref<2x2560x128xi32, #tpu.memory_space<hbm>> -> memref<1x2560x128xi32, #tpu.memory_space<hbm>>
      %dma_wait3A_48 = tpu.memref_squeeze %dma_wait3A_47 : memref<1x2560x128xi32, #tpu.memory_space<hbm>> -> memref<2560x128xi32, #tpu.memory_space<hbm>>
      %dma_wait3A_49 = arith.constant 0 : i32
      %dma_wait3A_50 = tpu.memref_slice %dma_wait3A_48[%mul3A_2, %dma_wait3A_49] : memref<2560x128xi32, #tpu.memory_space<hbm>> -> memref<160x128xi32, #tpu.memory_space<hbm>>
      tpu.wait_dma2 semaphore(%run_scoped3A_27 : memref<!tpu.dma_semaphore, #tpu.memory_space<semaphore_mem>>) src(%dma_wait3A_50 : memref<160x128xi32, #tpu.memory_space<hbm>>) dst(%arg6 : memref<160x128xi32, #tpu.memory_space<vmem>>)
      tpu.yield
    }) : () -> ()
    %mul3A_3 = arith.constant 160 : i32
    %mul3A_4 = arith.muli %arg1, %mul3A_3 : i32
    %run_scoped3A_5 = arith.constant 1 : i32
    "tpu.region"() ({
      %run_scoped3A_27 = tpu.sem_alloc : memref<!tpu.dma_semaphore, #tpu.memory_space<semaphore_mem>>
      %dma_start3A_28 = arith.constant 0 : i32
      %dma_start3A_29 = arith.constant 0 : i32
      %dma_start3A_30 = tpu.memref_slice %arg3[%run_scoped3A_5, %dma_start3A_28, %dma_start3A_29] : memref<2x2560x128xi32, #tpu.memory_space<hbm>> -> memref<1x2560x128xi32, #tpu.memory_space<hbm>>
      %dma_start3A_31 = tpu.memref_squeeze %dma_start3A_30 : memref<1x2560x128xi32, #tpu.memory_space<hbm>> -> memref<2560x128xi32, #tpu.memory_space<hbm>>
      %dma_start3A_32 = arith.constant 0 : i32
      %dma_start3A_33 = tpu.memref_slice %dma_start3A_31[%mul3A_4, %dma_start3A_32] : memref<2560x128xi32, #tpu.memory_space<hbm>> -> memref<160x128xi32, #tpu.memory_space<hbm>>
      %dma_start3A_34 = arith.constant 0 : i32
      %dma_start3A_35 = arith.constant 0 : i32
      %dma_start3A_36 = tpu.memref_slice %arg3[%run_scoped3A_5, %dma_start3A_34, %dma_start3A_35] : memref<2x2560x128xi32, #tpu.memory_space<hbm>> -> memref<1x2560x128xi32, #tpu.memory_space<hbm>>
      %dma_start3A_37 = tpu.memref_squeeze %dma_start3A_36 : memref<1x2560x128xi32, #tpu.memory_space<hbm>> -> memref<2560x128xi32, #tpu.memory_space<hbm>>
      %dma_start3A_38 = arith.constant 0 : i32
      %dma_start3A_39 = tpu.memref_slice %dma_start3A_37[%mul3A_4, %dma_start3A_38] : memref<2560x128xi32, #tpu.memory_space<hbm>> -> memref<160x128xi32, #tpu.memory_space<hbm>>
      tpu.enqueue_dma source(%dma_start3A_39 : memref<160x128xi32, #tpu.memory_space<hbm>>) target(%arg7 : memref<160x128xi32, #tpu.memory_space<vmem>>) target_semaphore(%run_scoped3A_27 : memref<!tpu.dma_semaphore, #tpu.memory_space<semaphore_mem>>)
      %dma_wait3A = arith.constant 0 : i32
      %dma_wait3A_40 = arith.constant 0 : i32
      %dma_wait3A_41 = tpu.memref_slice %arg3[%run_scoped3A_5, %dma_wait3A, %dma_wait3A_40] : memref<2x2560x128xi32, #tpu.memory_space<hbm>> -> memref<1x2560x128xi32, #tpu.memory_space<hbm>>
      %dma_wait3A_42 = tpu.memref_squeeze %dma_wait3A_41 : memref<1x2560x128xi32, #tpu.memory_space<hbm>> -> memref<2560x128xi32, #tpu.memory_space<hbm>>
      %dma_wait3A_43 = arith.constant 0 : i32
      %dma_wait3A_44 = tpu.memref_slice %dma_wait3A_42[%mul3A_4, %dma_wait3A_43] : memref<2560x128xi32, #tpu.memory_space<hbm>> -> memref<160x128xi32, #tpu.memory_space<hbm>>
      %dma_wait3A_45 = arith.constant 0 : i32
      %dma_wait3A_46 = arith.constant 0 : i32
      %dma_wait3A_47 = tpu.memref_slice %arg3[%run_scoped3A_5, %dma_wait3A_45, %dma_wait3A_46] : memref<2x2560x128xi32, #tpu.memory_space<hbm>> -> memref<1x2560x128xi32, #tpu.memory_space<hbm>>
      %dma_wait3A_48 = tpu.memref_squeeze %dma_wait3A_47 : memref<1x2560x128xi32, #tpu.memory_space<hbm>> -> memref<2560x128xi32, #tpu.memory_space<hbm>>
      %dma_wait3A_49 = arith.constant 0 : i32
      %dma_wait3A_50 = tpu.memref_slice %dma_wait3A_48[%mul3A_4, %dma_wait3A_49] : memref<2560x128xi32, #tpu.memory_space<hbm>> -> memref<160x128xi32, #tpu.memory_space<hbm>>
      tpu.wait_dma2 semaphore(%run_scoped3A_27 : memref<!tpu.dma_semaphore, #tpu.memory_space<semaphore_mem>>) src(%dma_wait3A_50 : memref<160x128xi32, #tpu.memory_space<hbm>>) dst(%arg7 : memref<160x128xi32, #tpu.memory_space<vmem>>)
      tpu.yield
    }) : () -> ()
    "tpu.region"() ({
      %run_scoped3A_27 = tpu.sem_alloc : memref<!tpu.dma_semaphore, #tpu.memory_space<semaphore_mem>>
      %dma_start3A_28 = arith.constant 0 : i32
      %dma_start3A_29 = tpu.memref_slice %arg5[%mul3A_0, %dma_start3A_28] : memref<10240x64xbf16, #tpu.memory_space<vmem_shared>> -> memref<640x64xbf16, #tpu.memory_space<vmem_shared>>
      %dma_start3A_30 = arith.constant 0 : i32
      %dma_start3A_31 = arith.constant 0 : i32
      %dma_start3A_32 = tpu.memref_slice %arg2[%arg0, %dma_start3A_30, %dma_start3A_31] : memref<2x10240x64xbf16, #tpu.memory_space<hbm>> -> memref<1x10240x64xbf16, #tpu.memory_space<hbm>>
      %dma_start3A_33 = tpu.memref_squeeze %dma_start3A_32 : memref<1x10240x64xbf16, #tpu.memory_space<hbm>> -> memref<10240x64xbf16, #tpu.memory_space<hbm>>
      %dma_start3A_34 = arith.constant 0 : i32
      %dma_start3A_35 = tpu.memref_slice %dma_start3A_33[%mul3A_0, %dma_start3A_34] : memref<10240x64xbf16, #tpu.memory_space<hbm>> -> memref<640x64xbf16, #tpu.memory_space<hbm>>
      tpu.enqueue_dma source(%dma_start3A_35 : memref<640x64xbf16, #tpu.memory_space<hbm>>) target(%dma_start3A_29 : memref<640x64xbf16, #tpu.memory_space<vmem_shared>>) target_semaphore(%run_scoped3A_27 : memref<!tpu.dma_semaphore, #tpu.memory_space<semaphore_mem>>)
      %dma_wait3A = arith.constant 0 : i32
      %dma_wait3A_36 = tpu.memref_slice %arg5[%mul3A_0, %dma_wait3A] : memref<10240x64xbf16, #tpu.memory_space<vmem_shared>> -> memref<640x64xbf16, #tpu.memory_space<vmem_shared>>
      %dma_wait3A_37 = arith.constant 0 : i32
      %dma_wait3A_38 = arith.constant 0 : i32
      %dma_wait3A_39 = tpu.memref_slice %arg2[%arg0, %dma_wait3A_37, %dma_wait3A_38] : memref<2x10240x64xbf16, #tpu.memory_space<hbm>> -> memref<1x10240x64xbf16, #tpu.memory_space<hbm>>
      %dma_wait3A_40 = tpu.memref_squeeze %dma_wait3A_39 : memref<1x10240x64xbf16, #tpu.memory_space<hbm>> -> memref<10240x64xbf16, #tpu.memory_space<hbm>>
      %dma_wait3A_41 = arith.constant 0 : i32
      %dma_wait3A_42 = tpu.memref_slice %dma_wait3A_40[%mul3A_0, %dma_wait3A_41] : memref<10240x64xbf16, #tpu.memory_space<hbm>> -> memref<640x64xbf16, #tpu.memory_space<hbm>>
      tpu.wait_dma2 semaphore(%run_scoped3A_27 : memref<!tpu.dma_semaphore, #tpu.memory_space<semaphore_mem>>) src(%dma_wait3A_42 : memref<640x64xbf16, #tpu.memory_space<hbm>>) dst(%dma_wait3A_36 : memref<640x64xbf16, #tpu.memory_space<vmem_shared>>)
      tpu.yield
    }) : () -> ()
    %barrier3A = arith.constant 0 : index
    tpu.barrier barrier_id(%barrier3A)
    %dma_start3A = arith.constant 0 : i32
    %dma_start3A_6 = arith.constant 0 : i32
    %dma_start3A_7 = arith.constant 0 : i32
    %dma_start3A_8 = arith.constant 0 : i32
    %dma_start3A_9 = tpu.memref_slice %arg8[%dma_start3A_6, %dma_start3A_7, %dma_start3A_8] : memref<2x128x64xbf16, #tpu.memory_space<vmem>> -> memref<1x128x64xbf16, #tpu.memory_space<vmem>>
    %dma_start3A_10 = tpu.memref_squeeze %dma_start3A_9 : memref<1x128x64xbf16, #tpu.memory_space<vmem>> -> memref<128x64xbf16, #tpu.memory_space<vmem>>
    %dma_start3A_11 = arith.constant 0 : i32
    %dma_start3A_12 = tpu.memref_slice %arg6[%dma_start3A, %dma_start3A_11] : memref<160x128xi32, #tpu.memory_space<vmem>> -> memref<1x128xi32, #tpu.memory_space<vmem>>
    %dma_start3A_13 = tpu.memref_squeeze %dma_start3A_12 : memref<1x128xi32, #tpu.memory_space<vmem>> -> memref<128xi32, #tpu.memory_space<vmem>>
    %dma_start3A_14 = arith.constant 0 : i32
    %dma_start3A_15 = arith.constant 0 : i32
    %dma_start3A_16 = tpu.memref_slice %arg2[%arg0, %dma_start3A_14, %dma_start3A_15] : memref<2x10240x64xbf16, #tpu.memory_space<hbm>> -> memref<1x10240x64xbf16, #tpu.memory_space<hbm>>
    %dma_start3A_17 = tpu.memref_squeeze %dma_start3A_16 : memref<1x10240x64xbf16, #tpu.memory_space<hbm>> -> memref<10240x64xbf16, #tpu.memory_space<hbm>>
    %dma_start3A_18 = arith.constant 0 : i32
    %dma_start3A_19 = arith.constant 0 : i32
    %dma_start3A_20 = tpu.memref_slice %dma_start3A_17[%dma_start3A_18, %dma_start3A_19] : memref<10240x64xbf16, #tpu.memory_space<hbm>> -> memref<10240x64xbf16, #tpu.memory_space<hbm>>
    tpu.enqueue_indirect_dma source(%dma_start3A_20 : memref<10240x64xbf16, #tpu.memory_space<hbm>>) target(%dma_start3A_10 : memref<128x64xbf16, #tpu.memory_space<vmem>>) offsets(%dma_start3A_13 : memref<128xi32, #tpu.memory_space<vmem>>) semaphore(%arg9 : memref<!tpu.dma_semaphore, #tpu.memory_space<semaphore_mem>>)
    %scan3A = arith.constant 0 : i32
    %scan3A_21 = arith.constant 0 : i32
    %scan3A_22 = arith.constant 80 : i32
    %scan3A_23 = arith.addi %scan3A_21, %scan3A_22 : i32
    %scan3A_24 = arith.constant 1 : i32
    scf.for %scan3A_27 = %scan3A_21 to %scan3A_23 step %scan3A_24  : i32 {
      %mul3A_28 = arith.constant 2 : i32
      %mul3A_29 = arith.muli %scan3A_27, %mul3A_28 : i32
      %add3A = arith.constant 0 : i32
      %add3A_30 = arith.addi %mul3A_29, %add3A : i32
      %add3A_31 = arith.constant 1 : i32
      %add3A_32 = arith.addi %add3A_30, %add3A_31 : i32
      %lt3A = arith.constant 160 : i32
      %lt3A_33 = arith.cmpi slt, %add3A_32, %lt3A : i32
      %convert_element_type3A = arith.extui %lt3A_33 : i1 to i32
      %cond3A = arith.constant 0 : i32
      %cond3A_34 = arith.cmpi ne, %convert_element_type3A, %cond3A : i32
      scf.if %cond3A_34 {
        %add3A_77 = arith.constant 1 : i32
        %add3A_78 = arith.addi %add3A_30, %add3A_77 : i32
        %dma_start3A_79 = arith.constant 1 : i32
        %dma_start3A_80 = arith.constant 0 : i32
        %dma_start3A_81 = arith.constant 0 : i32
        %dma_start3A_82 = tpu.memref_slice %arg8[%dma_start3A_79, %dma_start3A_80, %dma_start3A_81] : memref<2x128x64xbf16, #tpu.memory_space<vmem>> -> memref<1x128x64xbf16, #tpu.memory_space<vmem>>
        %dma_start3A_83 = tpu.memref_squeeze %dma_start3A_82 : memref<1x128x64xbf16, #tpu.memory_space<vmem>> -> memref<128x64xbf16, #tpu.memory_space<vmem>>
        %dma_start3A_84 = arith.constant 0 : i32
        %dma_start3A_85 = tpu.memref_slice %arg6[%add3A_78, %dma_start3A_84] : memref<160x128xi32, #tpu.memory_space<vmem>> -> memref<1x128xi32, #tpu.memory_space<vmem>>
        %dma_start3A_86 = tpu.memref_squeeze %dma_start3A_85 : memref<1x128xi32, #tpu.memory_space<vmem>> -> memref<128xi32, #tpu.memory_space<vmem>>
        %dma_start3A_87 = arith.constant 0 : i32
        %dma_start3A_88 = arith.constant 0 : i32
        %dma_start3A_89 = tpu.memref_slice %arg2[%arg0, %dma_start3A_87, %dma_start3A_88] : memref<2x10240x64xbf16, #tpu.memory_space<hbm>> -> memref<1x10240x64xbf16, #tpu.memory_space<hbm>>
        %dma_start3A_90 = tpu.memref_squeeze %dma_start3A_89 : memref<1x10240x64xbf16, #tpu.memory_space<hbm>> -> memref<10240x64xbf16, #tpu.memory_space<hbm>>
        %dma_start3A_91 = arith.constant 0 : i32
        %dma_start3A_92 = arith.constant 0 : i32
        %dma_start3A_93 = tpu.memref_slice %dma_start3A_90[%dma_start3A_91, %dma_start3A_92] : memref<10240x64xbf16, #tpu.memory_space<hbm>> -> memref<10240x64xbf16, #tpu.memory_space<hbm>>
        tpu.enqueue_indirect_dma source(%dma_start3A_93 : memref<10240x64xbf16, #tpu.memory_space<hbm>>) target(%dma_start3A_83 : memref<128x64xbf16, #tpu.memory_space<vmem>>) offsets(%dma_start3A_86 : memref<128xi32, #tpu.memory_space<vmem>>) semaphore(%arg10 : memref<!tpu.dma_semaphore, #tpu.memory_space<semaphore_mem>>)
      } else {
      }
      %dma_wait3A = arith.constant 0 : i32
      %dma_wait3A_35 = arith.constant 0 : i32
      %dma_wait3A_36 = arith.constant 0 : i32
      %dma_wait3A_37 = tpu.memref_slice %arg8[%dma_wait3A, %dma_wait3A_35, %dma_wait3A_36] : memref<2x128x64xbf16, #tpu.memory_space<vmem>> -> memref<1x128x64xbf16, #tpu.memory_space<vmem>>
      %dma_wait3A_38 = tpu.memref_squeeze %dma_wait3A_37 : memref<1x128x64xbf16, #tpu.memory_space<vmem>> -> memref<128x64xbf16, #tpu.memory_space<vmem>>
      %dma_wait3A_39 = arith.constant 0 : i32
      %dma_wait3A_40 = tpu.memref_slice %arg6[%add3A_30, %dma_wait3A_39] : memref<160x128xi32, #tpu.memory_space<vmem>> -> memref<1x128xi32, #tpu.memory_space<vmem>>
      %dma_wait3A_41 = tpu.memref_squeeze %dma_wait3A_40 : memref<1x128xi32, #tpu.memory_space<vmem>> -> memref<128xi32, #tpu.memory_space<vmem>>
      %dma_wait3A_42 = arith.constant 0 : i32
      %dma_wait3A_43 = arith.constant 0 : i32
      %dma_wait3A_44 = tpu.memref_slice %arg2[%arg0, %dma_wait3A_42, %dma_wait3A_43] : memref<2x10240x64xbf16, #tpu.memory_space<hbm>> -> memref<1x10240x64xbf16, #tpu.memory_space<hbm>>
      %dma_wait3A_45 = tpu.memref_squeeze %dma_wait3A_44 : memref<1x10240x64xbf16, #tpu.memory_space<hbm>> -> memref<10240x64xbf16, #tpu.memory_space<hbm>>
      %dma_wait3A_46 = arith.constant 0 : i32
      %dma_wait3A_47 = arith.constant 0 : i32
      %dma_wait3A_48 = tpu.memref_slice %dma_wait3A_45[%dma_wait3A_46, %dma_wait3A_47] : memref<10240x64xbf16, #tpu.memory_space<hbm>> -> memref<10240x64xbf16, #tpu.memory_space<hbm>>
      tpu.wait_indirect_dma semaphore(%arg9 : memref<!tpu.dma_semaphore, #tpu.memory_space<semaphore_mem>>) src(%dma_wait3A_48 : memref<10240x64xbf16, #tpu.memory_space<hbm>>) dst(%dma_wait3A_38 : memref<128x64xbf16, #tpu.memory_space<vmem>>)
      %run_scoped3A_49 = arith.constant 0 : i32
      "tpu.region"() ({
        %run_scoped3A_77 = tpu.sem_alloc : memref<!tpu.dma_semaphore, #tpu.memory_space<semaphore_mem>>
        %dma_start3A_78 = arith.constant 0 : i32
        %dma_start3A_79 = arith.constant 0 : i32
        %dma_start3A_80 = tpu.memref_slice %arg8[%run_scoped3A_49, %dma_start3A_78, %dma_start3A_79] : memref<2x128x64xbf16, #tpu.memory_space<vmem>> -> memref<1x128x64xbf16, #tpu.memory_space<vmem>>
        %dma_start3A_81 = tpu.memref_squeeze %dma_start3A_80 : memref<1x128x64xbf16, #tpu.memory_space<vmem>> -> memref<128x64xbf16, #tpu.memory_space<vmem>>
        %dma_start3A_82 = arith.constant 0 : i32
        %dma_start3A_83 = tpu.memref_slice %arg7[%add3A_30, %dma_start3A_82] : memref<160x128xi32, #tpu.memory_space<vmem>> -> memref<1x128xi32, #tpu.memory_space<vmem>>
        %dma_start3A_84 = tpu.memref_squeeze %dma_start3A_83 : memref<1x128xi32, #tpu.memory_space<vmem>> -> memref<128xi32, #tpu.memory_space<vmem>>
        %dma_start3A_85 = arith.constant 0 : i32
        %dma_start3A_86 = arith.constant 0 : i32
        %dma_start3A_87 = tpu.memref_slice %arg5[%dma_start3A_85, %dma_start3A_86] : memref<10240x64xbf16, #tpu.memory_space<vmem_shared>> -> memref<10240x64xbf16, #tpu.memory_space<vmem_shared>>
        tpu.enqueue_indirect_dma source(%dma_start3A_81 : memref<128x64xbf16, #tpu.memory_space<vmem>>) target(%dma_start3A_87 : memref<10240x64xbf16, #tpu.memory_space<vmem_shared>>) offsets(%dma_start3A_84 : memref<128xi32, #tpu.memory_space<vmem>>) semaphore(%run_scoped3A_77 : memref<!tpu.dma_semaphore, #tpu.memory_space<semaphore_mem>>) {add = true}
        %dma_wait3A_88 = arith.constant 0 : i32
        %dma_wait3A_89 = arith.constant 0 : i32
        %dma_wait3A_90 = tpu.memref_slice %arg8[%run_scoped3A_49, %dma_wait3A_88, %dma_wait3A_89] : memref<2x128x64xbf16, #tpu.memory_space<vmem>> -> memref<1x128x64xbf16, #tpu.memory_space<vmem>>
        %dma_wait3A_91 = tpu.memref_squeeze %dma_wait3A_90 : memref<1x128x64xbf16, #tpu.memory_space<vmem>> -> memref<128x64xbf16, #tpu.memory_space<vmem>>
        %dma_wait3A_92 = arith.constant 0 : i32
        %dma_wait3A_93 = tpu.memref_slice %arg7[%add3A_30, %dma_wait3A_92] : memref<160x128xi32, #tpu.memory_space<vmem>> -> memref<1x128xi32, #tpu.memory_space<vmem>>
        %dma_wait3A_94 = tpu.memref_squeeze %dma_wait3A_93 : memref<1x128xi32, #tpu.memory_space<vmem>> -> memref<128xi32, #tpu.memory_space<vmem>>
        %dma_wait3A_95 = arith.constant 0 : i32
        %dma_wait3A_96 = arith.constant 0 : i32
        %dma_wait3A_97 = tpu.memref_slice %arg5[%dma_wait3A_95, %dma_wait3A_96] : memref<10240x64xbf16, #tpu.memory_space<vmem_shared>> -> memref<10240x64xbf16, #tpu.memory_space<vmem_shared>>
        tpu.wait_indirect_dma semaphore(%run_scoped3A_77 : memref<!tpu.dma_semaphore, #tpu.memory_space<semaphore_mem>>) src(%dma_wait3A_91 : memref<128x64xbf16, #tpu.memory_space<vmem>>) dst(%dma_wait3A_97 : memref<10240x64xbf16, #tpu.memory_space<vmem_shared>>)
        tpu.yield
      }) : () -> ()
      %mul3A_50 = arith.constant 2 : i32
      %mul3A_51 = arith.muli %scan3A_27, %mul3A_50 : i32
      %add3A_52 = arith.constant 1 : i32
      %add3A_53 = arith.addi %mul3A_51, %add3A_52 : i32
      %add3A_54 = arith.constant 1 : i32
      %add3A_55 = arith.addi %add3A_53, %add3A_54 : i32
      %lt3A_56 = arith.constant 160 : i32
      %lt3A_57 = arith.cmpi slt, %add3A_55, %lt3A_56 : i32
      %convert_element_type3A_58 = arith.extui %lt3A_57 : i1 to i32
      %cond3A_59 = arith.constant 0 : i32
      %cond3A_60 = arith.cmpi ne, %convert_element_type3A_58, %cond3A_59 : i32
      scf.if %cond3A_60 {
        %add3A_77 = arith.constant 1 : i32
        %add3A_78 = arith.addi %add3A_53, %add3A_77 : i32
        %dma_start3A_79 = arith.constant 0 : i32
        %dma_start3A_80 = arith.constant 0 : i32
        %dma_start3A_81 = arith.constant 0 : i32
        %dma_start3A_82 = tpu.memref_slice %arg8[%dma_start3A_79, %dma_start3A_80, %dma_start3A_81] : memref<2x128x64xbf16, #tpu.memory_space<vmem>> -> memref<1x128x64xbf16, #tpu.memory_space<vmem>>
        %dma_start3A_83 = tpu.memref_squeeze %dma_start3A_82 : memref<1x128x64xbf16, #tpu.memory_space<vmem>> -> memref<128x64xbf16, #tpu.memory_space<vmem>>
        %dma_start3A_84 = arith.constant 0 : i32
        %dma_start3A_85 = tpu.memref_slice %arg6[%add3A_78, %dma_start3A_84] : memref<160x128xi32, #tpu.memory_space<vmem>> -> memref<1x128xi32, #tpu.memory_space<vmem>>
        %dma_start3A_86 = tpu.memref_squeeze %dma_start3A_85 : memref<1x128xi32, #tpu.memory_space<vmem>> -> memref<128xi32, #tpu.memory_space<vmem>>
        %dma_start3A_87 = arith.constant 0 : i32
        %dma_start3A_88 = arith.constant 0 : i32
        %dma_start3A_89 = tpu.memref_slice %arg2[%arg0, %dma_start3A_87, %dma_start3A_88] : memref<2x10240x64xbf16, #tpu.memory_space<hbm>> -> memref<1x10240x64xbf16, #tpu.memory_space<hbm>>
        %dma_start3A_90 = tpu.memref_squeeze %dma_start3A_89 : memref<1x10240x64xbf16, #tpu.memory_space<hbm>> -> memref<10240x64xbf16, #tpu.memory_space<hbm>>
        %dma_start3A_91 = arith.constant 0 : i32
        %dma_start3A_92 = arith.constant 0 : i32
        %dma_start3A_93 = tpu.memref_slice %dma_start3A_90[%dma_start3A_91, %dma_start3A_92] : memref<10240x64xbf16, #tpu.memory_space<hbm>> -> memref<10240x64xbf16, #tpu.memory_space<hbm>>
        tpu.enqueue_indirect_dma source(%dma_start3A_93 : memref<10240x64xbf16, #tpu.memory_space<hbm>>) target(%dma_start3A_83 : memref<128x64xbf16, #tpu.memory_space<vmem>>) offsets(%dma_start3A_86 : memref<128xi32, #tpu.memory_space<vmem>>) semaphore(%arg9 : memref<!tpu.dma_semaphore, #tpu.memory_space<semaphore_mem>>)
      } else {
      }
      %dma_wait3A_61 = arith.constant 1 : i32
      %dma_wait3A_62 = arith.constant 0 : i32
      %dma_wait3A_63 = arith.constant 0 : i32
      %dma_wait3A_64 = tpu.memref_slice %arg8[%dma_wait3A_61, %dma_wait3A_62, %dma_wait3A_63] : memref<2x128x64xbf16, #tpu.memory_space<vmem>> -> memref<1x128x64xbf16, #tpu.memory_space<vmem>>
      %dma_wait3A_65 = tpu.memref_squeeze %dma_wait3A_64 : memref<1x128x64xbf16, #tpu.memory_space<vmem>> -> memref<128x64xbf16, #tpu.memory_space<vmem>>
      %dma_wait3A_66 = arith.constant 0 : i32
      %dma_wait3A_67 = tpu.memref_slice %arg6[%add3A_53, %dma_wait3A_66] : memref<160x128xi32, #tpu.memory_space<vmem>> -> memref<1x128xi32, #tpu.memory_space<vmem>>
      %dma_wait3A_68 = tpu.memref_squeeze %dma_wait3A_67 : memref<1x128xi32, #tpu.memory_space<vmem>> -> memref<128xi32, #tpu.memory_space<vmem>>
      %dma_wait3A_69 = arith.constant 0 : i32
      %dma_wait3A_70 = arith.constant 0 : i32
      %dma_wait3A_71 = tpu.memref_slice %arg2[%arg0, %dma_wait3A_69, %dma_wait3A_70] : memref<2x10240x64xbf16, #tpu.memory_space<hbm>> -> memref<1x10240x64xbf16, #tpu.memory_space<hbm>>
      %dma_wait3A_72 = tpu.memref_squeeze %dma_wait3A_71 : memref<1x10240x64xbf16, #tpu.memory_space<hbm>> -> memref<10240x64xbf16, #tpu.memory_space<hbm>>
      %dma_wait3A_73 = arith.constant 0 : i32
      %dma_wait3A_74 = arith.constant 0 : i32
      %dma_wait3A_75 = tpu.memref_slice %dma_wait3A_72[%dma_wait3A_73, %dma_wait3A_74] : memref<10240x64xbf16, #tpu.memory_space<hbm>> -> memref<10240x64xbf16, #tpu.memory_space<hbm>>
      tpu.wait_indirect_dma semaphore(%arg10 : memref<!tpu.dma_semaphore, #tpu.memory_space<semaphore_mem>>) src(%dma_wait3A_75 : memref<10240x64xbf16, #tpu.memory_space<hbm>>) dst(%dma_wait3A_65 : memref<128x64xbf16, #tpu.memory_space<vmem>>)
      %run_scoped3A_76 = arith.constant 1 : i32
      "tpu.region"() ({
        %run_scoped3A_77 = tpu.sem_alloc : memref<!tpu.dma_semaphore, #tpu.memory_space<semaphore_mem>>
        %dma_start3A_78 = arith.constant 0 : i32
        %dma_start3A_79 = arith.constant 0 : i32
        %dma_start3A_80 = tpu.memref_slice %arg8[%run_scoped3A_76, %dma_start3A_78, %dma_start3A_79] : memref<2x128x64xbf16, #tpu.memory_space<vmem>> -> memref<1x128x64xbf16, #tpu.memory_space<vmem>>
        %dma_start3A_81 = tpu.memref_squeeze %dma_start3A_80 : memref<1x128x64xbf16, #tpu.memory_space<vmem>> -> memref<128x64xbf16, #tpu.memory_space<vmem>>
        %dma_start3A_82 = arith.constant 0 : i32
        %dma_start3A_83 = tpu.memref_slice %arg7[%add3A_53, %dma_start3A_82] : memref<160x128xi32, #tpu.memory_space<vmem>> -> memref<1x128xi32, #tpu.memory_space<vmem>>
        %dma_start3A_84 = tpu.memref_squeeze %dma_start3A_83 : memref<1x128xi32, #tpu.memory_space<vmem>> -> memref<128xi32, #tpu.memory_space<vmem>>
        %dma_start3A_85 = arith.constant 0 : i32
        %dma_start3A_86 = arith.constant 0 : i32
        %dma_start3A_87 = tpu.memref_slice %arg5[%dma_start3A_85, %dma_start3A_86] : memref<10240x64xbf16, #tpu.memory_space<vmem_shared>> -> memref<10240x64xbf16, #tpu.memory_space<vmem_shared>>
        tpu.enqueue_indirect_dma source(%dma_start3A_81 : memref<128x64xbf16, #tpu.memory_space<vmem>>) target(%dma_start3A_87 : memref<10240x64xbf16, #tpu.memory_space<vmem_shared>>) offsets(%dma_start3A_84 : memref<128xi32, #tpu.memory_space<vmem>>) semaphore(%run_scoped3A_77 : memref<!tpu.dma_semaphore, #tpu.memory_space<semaphore_mem>>) {add = true}
        %dma_wait3A_88 = arith.constant 0 : i32
        %dma_wait3A_89 = arith.constant 0 : i32
        %dma_wait3A_90 = tpu.memref_slice %arg8[%run_scoped3A_76, %dma_wait3A_88, %dma_wait3A_89] : memref<2x128x64xbf16, #tpu.memory_space<vmem>> -> memref<1x128x64xbf16, #tpu.memory_space<vmem>>
        %dma_wait3A_91 = tpu.memref_squeeze %dma_wait3A_90 : memref<1x128x64xbf16, #tpu.memory_space<vmem>> -> memref<128x64xbf16, #tpu.memory_space<vmem>>
        %dma_wait3A_92 = arith.constant 0 : i32
        %dma_wait3A_93 = tpu.memref_slice %arg7[%add3A_53, %dma_wait3A_92] : memref<160x128xi32, #tpu.memory_space<vmem>> -> memref<1x128xi32, #tpu.memory_space<vmem>>
        %dma_wait3A_94 = tpu.memref_squeeze %dma_wait3A_93 : memref<1x128xi32, #tpu.memory_space<vmem>> -> memref<128xi32, #tpu.memory_space<vmem>>
        %dma_wait3A_95 = arith.constant 0 : i32
        %dma_wait3A_96 = arith.constant 0 : i32
        %dma_wait3A_97 = tpu.memref_slice %arg5[%dma_wait3A_95, %dma_wait3A_96] : memref<10240x64xbf16, #tpu.memory_space<vmem_shared>> -> memref<10240x64xbf16, #tpu.memory_space<vmem_shared>>
        tpu.wait_indirect_dma semaphore(%run_scoped3A_77 : memref<!tpu.dma_semaphore, #tpu.memory_space<semaphore_mem>>) src(%dma_wait3A_91 : memref<128x64xbf16, #tpu.memory_space<vmem>>) dst(%dma_wait3A_97 : memref<10240x64xbf16, #tpu.memory_space<vmem_shared>>)
        tpu.yield
      }) : () -> ()
    }
    %scan3A_25 = arith.constant 80 : i32
    %barrier3A_26 = arith.constant 0 : index
    tpu.barrier barrier_id(%barrier3A_26)
    "tpu.region"() ({
      %run_scoped3A_27 = tpu.sem_alloc : memref<!tpu.dma_semaphore, #tpu.memory_space<semaphore_mem>>
      %dma_start3A_28 = arith.constant 0 : i32
      %dma_start3A_29 = tpu.memref_slice %arg4[%arg0, %mul3A_0, %dma_start3A_28] : memref<2x10240x64xbf16, #tpu.memory_space<hbm>> -> memref<1x640x64xbf16, #tpu.memory_space<hbm>>
      %dma_start3A_30 = tpu.memref_squeeze %dma_start3A_29 : memref<1x640x64xbf16, #tpu.memory_space<hbm>> -> memref<640x64xbf16, #tpu.memory_space<hbm>>
      %dma_start3A_31 = arith.constant 0 : i32
      %dma_start3A_32 = tpu.memref_slice %arg5[%mul3A_0, %dma_start3A_31] : memref<10240x64xbf16, #tpu.memory_space<vmem_shared>> -> memref<640x64xbf16, #tpu.memory_space<vmem_shared>>
      tpu.enqueue_dma source(%dma_start3A_32 : memref<640x64xbf16, #tpu.memory_space<vmem_shared>>) target(%dma_start3A_30 : memref<640x64xbf16, #tpu.memory_space<hbm>>) target_semaphore(%run_scoped3A_27 : memref<!tpu.dma_semaphore, #tpu.memory_space<semaphore_mem>>)
      %dma_wait3A = arith.constant 0 : i32
      %dma_wait3A_33 = tpu.memref_slice %arg4[%arg0, %mul3A_0, %dma_wait3A] : memref<2x10240x64xbf16, #tpu.memory_space<hbm>> -> memref<1x640x64xbf16, #tpu.memory_space<hbm>>
      %dma_wait3A_34 = tpu.memref_squeeze %dma_wait3A_33 : memref<1x640x64xbf16, #tpu.memory_space<hbm>> -> memref<640x64xbf16, #tpu.memory_space<hbm>>
      %dma_wait3A_35 = arith.constant 0 : i32
      %dma_wait3A_36 = tpu.memref_slice %arg5[%mul3A_0, %dma_wait3A_35] : memref<10240x64xbf16, #tpu.memory_space<vmem_shared>> -> memref<640x64xbf16, #tpu.memory_space<vmem_shared>>
      tpu.wait_dma2 semaphore(%run_scoped3A_27 : memref<!tpu.dma_semaphore, #tpu.memory_space<semaphore_mem>>) src(%dma_wait3A_36 : memref<640x64xbf16, #tpu.memory_space<vmem_shared>>) dst(%dma_wait3A_34 : memref<640x64xbf16, #tpu.memory_space<hbm>>)
      tpu.yield
    }) : () -> ()
    return
  }
}

#map = affine_map<(d0, d1) -> (0, 0)>
#map1 = affine_map<(d0, d1) -> (0, 0, 0)>
module attributes {stable_mosaic.version = 14 : i64} {
  func.func @_sc_edges_narrow(%arg0: i32, %arg1: i32, %arg2: memref<10240x16xf32, #tpu.memory_space<hbm>>, %arg3: memref<2x2560x128xi32, #tpu.memory_space<hbm>>, %arg4: memref<2x10240x16xf32, #tpu.memory_space<hbm>>, %arg5: memref<10240x16xf32, #tpu.memory_space<vmem_shared>>, %arg6: memref<80x128xi32, #tpu.memory_space<vmem>>, %arg7: memref<80x128xi32, #tpu.memory_space<vmem>>, %arg8: memref<2x128x16xf32, #tpu.memory_space<vmem>>, %arg9: memref<!tpu.dma_semaphore, #tpu.memory_space<semaphore_mem>>, %arg10: memref<!tpu.dma_semaphore, #tpu.memory_space<semaphore_mem>>) attributes {dimension_semantics = [#tpu.dimension_semantics<core_parallel>, #tpu.dimension_semantics<subcore_parallel>], iteration_bounds = array<i64: 2, 16>, scalar_prefetch = 0 : i64, scratch_operands = 6 : i64, tpu.core_type = #tpu.core_type<sc_vector_subcore>, window_params = [{transform_indices = #map}, {transform_indices = #map1}, {transform_indices = #map1}]} {
    %mul3A = arith.constant 640 : i32
    %mul3A_0 = arith.muli %arg1, %mul3A : i32
    %mul3A_1 = arith.constant 16 : i32
    %mul3A_2 = arith.muli %arg0, %mul3A_1 : i32
    %add3A = arith.addi %mul3A_2, %arg1 : i32
    %mul3A_3 = arith.constant 80 : i32
    %mul3A_4 = arith.muli %add3A, %mul3A_3 : i32
    %run_scoped3A = arith.constant 0 : i32
    "tpu.region"() ({
      %run_scoped3A_25 = tpu.sem_alloc : memref<!tpu.dma_semaphore, #tpu.memory_space<semaphore_mem>>
      %dma_start3A_26 = arith.constant 0 : i32
      %dma_start3A_27 = arith.constant 0 : i32
      %dma_start3A_28 = tpu.memref_slice %arg3[%run_scoped3A, %dma_start3A_26, %dma_start3A_27] : memref<2x2560x128xi32, #tpu.memory_space<hbm>> -> memref<1x2560x128xi32, #tpu.memory_space<hbm>>
      %dma_start3A_29 = tpu.memref_squeeze %dma_start3A_28 : memref<1x2560x128xi32, #tpu.memory_space<hbm>> -> memref<2560x128xi32, #tpu.memory_space<hbm>>
      %dma_start3A_30 = arith.constant 0 : i32
      %dma_start3A_31 = tpu.memref_slice %dma_start3A_29[%mul3A_4, %dma_start3A_30] : memref<2560x128xi32, #tpu.memory_space<hbm>> -> memref<80x128xi32, #tpu.memory_space<hbm>>
      %dma_start3A_32 = arith.constant 0 : i32
      %dma_start3A_33 = arith.constant 0 : i32
      %dma_start3A_34 = tpu.memref_slice %arg3[%run_scoped3A, %dma_start3A_32, %dma_start3A_33] : memref<2x2560x128xi32, #tpu.memory_space<hbm>> -> memref<1x2560x128xi32, #tpu.memory_space<hbm>>
      %dma_start3A_35 = tpu.memref_squeeze %dma_start3A_34 : memref<1x2560x128xi32, #tpu.memory_space<hbm>> -> memref<2560x128xi32, #tpu.memory_space<hbm>>
      %dma_start3A_36 = arith.constant 0 : i32
      %dma_start3A_37 = tpu.memref_slice %dma_start3A_35[%mul3A_4, %dma_start3A_36] : memref<2560x128xi32, #tpu.memory_space<hbm>> -> memref<80x128xi32, #tpu.memory_space<hbm>>
      tpu.enqueue_dma source(%dma_start3A_37 : memref<80x128xi32, #tpu.memory_space<hbm>>) target(%arg6 : memref<80x128xi32, #tpu.memory_space<vmem>>) target_semaphore(%run_scoped3A_25 : memref<!tpu.dma_semaphore, #tpu.memory_space<semaphore_mem>>)
      %dma_wait3A = arith.constant 0 : i32
      %dma_wait3A_38 = arith.constant 0 : i32
      %dma_wait3A_39 = tpu.memref_slice %arg3[%run_scoped3A, %dma_wait3A, %dma_wait3A_38] : memref<2x2560x128xi32, #tpu.memory_space<hbm>> -> memref<1x2560x128xi32, #tpu.memory_space<hbm>>
      %dma_wait3A_40 = tpu.memref_squeeze %dma_wait3A_39 : memref<1x2560x128xi32, #tpu.memory_space<hbm>> -> memref<2560x128xi32, #tpu.memory_space<hbm>>
      %dma_wait3A_41 = arith.constant 0 : i32
      %dma_wait3A_42 = tpu.memref_slice %dma_wait3A_40[%mul3A_4, %dma_wait3A_41] : memref<2560x128xi32, #tpu.memory_space<hbm>> -> memref<80x128xi32, #tpu.memory_space<hbm>>
      %dma_wait3A_43 = arith.constant 0 : i32
      %dma_wait3A_44 = arith.constant 0 : i32
      %dma_wait3A_45 = tpu.memref_slice %arg3[%run_scoped3A, %dma_wait3A_43, %dma_wait3A_44] : memref<2x2560x128xi32, #tpu.memory_space<hbm>> -> memref<1x2560x128xi32, #tpu.memory_space<hbm>>
      %dma_wait3A_46 = tpu.memref_squeeze %dma_wait3A_45 : memref<1x2560x128xi32, #tpu.memory_space<hbm>> -> memref<2560x128xi32, #tpu.memory_space<hbm>>
      %dma_wait3A_47 = arith.constant 0 : i32
      %dma_wait3A_48 = tpu.memref_slice %dma_wait3A_46[%mul3A_4, %dma_wait3A_47] : memref<2560x128xi32, #tpu.memory_space<hbm>> -> memref<80x128xi32, #tpu.memory_space<hbm>>
      tpu.wait_dma2 semaphore(%run_scoped3A_25 : memref<!tpu.dma_semaphore, #tpu.memory_space<semaphore_mem>>) src(%dma_wait3A_48 : memref<80x128xi32, #tpu.memory_space<hbm>>) dst(%arg6 : memref<80x128xi32, #tpu.memory_space<vmem>>)
      tpu.yield
    }) : () -> ()
    %mul3A_5 = arith.constant 80 : i32
    %mul3A_6 = arith.muli %add3A, %mul3A_5 : i32
    %run_scoped3A_7 = arith.constant 1 : i32
    "tpu.region"() ({
      %run_scoped3A_25 = tpu.sem_alloc : memref<!tpu.dma_semaphore, #tpu.memory_space<semaphore_mem>>
      %dma_start3A_26 = arith.constant 0 : i32
      %dma_start3A_27 = arith.constant 0 : i32
      %dma_start3A_28 = tpu.memref_slice %arg3[%run_scoped3A_7, %dma_start3A_26, %dma_start3A_27] : memref<2x2560x128xi32, #tpu.memory_space<hbm>> -> memref<1x2560x128xi32, #tpu.memory_space<hbm>>
      %dma_start3A_29 = tpu.memref_squeeze %dma_start3A_28 : memref<1x2560x128xi32, #tpu.memory_space<hbm>> -> memref<2560x128xi32, #tpu.memory_space<hbm>>
      %dma_start3A_30 = arith.constant 0 : i32
      %dma_start3A_31 = tpu.memref_slice %dma_start3A_29[%mul3A_6, %dma_start3A_30] : memref<2560x128xi32, #tpu.memory_space<hbm>> -> memref<80x128xi32, #tpu.memory_space<hbm>>
      %dma_start3A_32 = arith.constant 0 : i32
      %dma_start3A_33 = arith.constant 0 : i32
      %dma_start3A_34 = tpu.memref_slice %arg3[%run_scoped3A_7, %dma_start3A_32, %dma_start3A_33] : memref<2x2560x128xi32, #tpu.memory_space<hbm>> -> memref<1x2560x128xi32, #tpu.memory_space<hbm>>
      %dma_start3A_35 = tpu.memref_squeeze %dma_start3A_34 : memref<1x2560x128xi32, #tpu.memory_space<hbm>> -> memref<2560x128xi32, #tpu.memory_space<hbm>>
      %dma_start3A_36 = arith.constant 0 : i32
      %dma_start3A_37 = tpu.memref_slice %dma_start3A_35[%mul3A_6, %dma_start3A_36] : memref<2560x128xi32, #tpu.memory_space<hbm>> -> memref<80x128xi32, #tpu.memory_space<hbm>>
      tpu.enqueue_dma source(%dma_start3A_37 : memref<80x128xi32, #tpu.memory_space<hbm>>) target(%arg7 : memref<80x128xi32, #tpu.memory_space<vmem>>) target_semaphore(%run_scoped3A_25 : memref<!tpu.dma_semaphore, #tpu.memory_space<semaphore_mem>>)
      %dma_wait3A = arith.constant 0 : i32
      %dma_wait3A_38 = arith.constant 0 : i32
      %dma_wait3A_39 = tpu.memref_slice %arg3[%run_scoped3A_7, %dma_wait3A, %dma_wait3A_38] : memref<2x2560x128xi32, #tpu.memory_space<hbm>> -> memref<1x2560x128xi32, #tpu.memory_space<hbm>>
      %dma_wait3A_40 = tpu.memref_squeeze %dma_wait3A_39 : memref<1x2560x128xi32, #tpu.memory_space<hbm>> -> memref<2560x128xi32, #tpu.memory_space<hbm>>
      %dma_wait3A_41 = arith.constant 0 : i32
      %dma_wait3A_42 = tpu.memref_slice %dma_wait3A_40[%mul3A_6, %dma_wait3A_41] : memref<2560x128xi32, #tpu.memory_space<hbm>> -> memref<80x128xi32, #tpu.memory_space<hbm>>
      %dma_wait3A_43 = arith.constant 0 : i32
      %dma_wait3A_44 = arith.constant 0 : i32
      %dma_wait3A_45 = tpu.memref_slice %arg3[%run_scoped3A_7, %dma_wait3A_43, %dma_wait3A_44] : memref<2x2560x128xi32, #tpu.memory_space<hbm>> -> memref<1x2560x128xi32, #tpu.memory_space<hbm>>
      %dma_wait3A_46 = tpu.memref_squeeze %dma_wait3A_45 : memref<1x2560x128xi32, #tpu.memory_space<hbm>> -> memref<2560x128xi32, #tpu.memory_space<hbm>>
      %dma_wait3A_47 = arith.constant 0 : i32
      %dma_wait3A_48 = tpu.memref_slice %dma_wait3A_46[%mul3A_6, %dma_wait3A_47] : memref<2560x128xi32, #tpu.memory_space<hbm>> -> memref<80x128xi32, #tpu.memory_space<hbm>>
      tpu.wait_dma2 semaphore(%run_scoped3A_25 : memref<!tpu.dma_semaphore, #tpu.memory_space<semaphore_mem>>) src(%dma_wait3A_48 : memref<80x128xi32, #tpu.memory_space<hbm>>) dst(%arg7 : memref<80x128xi32, #tpu.memory_space<vmem>>)
      tpu.yield
    }) : () -> ()
    "tpu.region"() ({
      %run_scoped3A_25 = tpu.sem_alloc : memref<!tpu.dma_semaphore, #tpu.memory_space<semaphore_mem>>
      %dma_start3A_26 = arith.constant 0 : i32
      %dma_start3A_27 = tpu.memref_slice %arg5[%mul3A_0, %dma_start3A_26] : memref<10240x16xf32, #tpu.memory_space<vmem_shared>> -> memref<640x16xf32, #tpu.memory_space<vmem_shared>>
      %dma_start3A_28 = arith.constant 0 : i32
      %dma_start3A_29 = tpu.memref_slice %arg2[%mul3A_0, %dma_start3A_28] : memref<10240x16xf32, #tpu.memory_space<hbm>> -> memref<640x16xf32, #tpu.memory_space<hbm>>
      tpu.enqueue_dma source(%dma_start3A_29 : memref<640x16xf32, #tpu.memory_space<hbm>>) target(%dma_start3A_27 : memref<640x16xf32, #tpu.memory_space<vmem_shared>>) target_semaphore(%run_scoped3A_25 : memref<!tpu.dma_semaphore, #tpu.memory_space<semaphore_mem>>)
      %dma_wait3A = arith.constant 0 : i32
      %dma_wait3A_30 = tpu.memref_slice %arg5[%mul3A_0, %dma_wait3A] : memref<10240x16xf32, #tpu.memory_space<vmem_shared>> -> memref<640x16xf32, #tpu.memory_space<vmem_shared>>
      %dma_wait3A_31 = arith.constant 0 : i32
      %dma_wait3A_32 = tpu.memref_slice %arg2[%mul3A_0, %dma_wait3A_31] : memref<10240x16xf32, #tpu.memory_space<hbm>> -> memref<640x16xf32, #tpu.memory_space<hbm>>
      tpu.wait_dma2 semaphore(%run_scoped3A_25 : memref<!tpu.dma_semaphore, #tpu.memory_space<semaphore_mem>>) src(%dma_wait3A_32 : memref<640x16xf32, #tpu.memory_space<hbm>>) dst(%dma_wait3A_30 : memref<640x16xf32, #tpu.memory_space<vmem_shared>>)
      tpu.yield
    }) : () -> ()
    %barrier3A = arith.constant 0 : index
    tpu.barrier barrier_id(%barrier3A)
    %dma_start3A = arith.constant 0 : i32
    %dma_start3A_8 = arith.constant 0 : i32
    %dma_start3A_9 = arith.constant 0 : i32
    %dma_start3A_10 = arith.constant 0 : i32
    %dma_start3A_11 = tpu.memref_slice %arg8[%dma_start3A_8, %dma_start3A_9, %dma_start3A_10] : memref<2x128x16xf32, #tpu.memory_space<vmem>> -> memref<1x128x16xf32, #tpu.memory_space<vmem>>
    %dma_start3A_12 = tpu.memref_squeeze %dma_start3A_11 : memref<1x128x16xf32, #tpu.memory_space<vmem>> -> memref<128x16xf32, #tpu.memory_space<vmem>>
    %dma_start3A_13 = arith.constant 0 : i32
    %dma_start3A_14 = tpu.memref_slice %arg6[%dma_start3A, %dma_start3A_13] : memref<80x128xi32, #tpu.memory_space<vmem>> -> memref<1x128xi32, #tpu.memory_space<vmem>>
    %dma_start3A_15 = tpu.memref_squeeze %dma_start3A_14 : memref<1x128xi32, #tpu.memory_space<vmem>> -> memref<128xi32, #tpu.memory_space<vmem>>
    %dma_start3A_16 = arith.constant 0 : i32
    %dma_start3A_17 = arith.constant 0 : i32
    %dma_start3A_18 = tpu.memref_slice %arg2[%dma_start3A_16, %dma_start3A_17] : memref<10240x16xf32, #tpu.memory_space<hbm>> -> memref<10240x16xf32, #tpu.memory_space<hbm>>
    tpu.enqueue_indirect_dma source(%dma_start3A_18 : memref<10240x16xf32, #tpu.memory_space<hbm>>) target(%dma_start3A_12 : memref<128x16xf32, #tpu.memory_space<vmem>>) offsets(%dma_start3A_15 : memref<128xi32, #tpu.memory_space<vmem>>) semaphore(%arg9 : memref<!tpu.dma_semaphore, #tpu.memory_space<semaphore_mem>>)
    %scan3A = arith.constant 0 : i32
    %scan3A_19 = arith.constant 0 : i32
    %scan3A_20 = arith.constant 40 : i32
    %scan3A_21 = arith.addi %scan3A_19, %scan3A_20 : i32
    %scan3A_22 = arith.constant 1 : i32
    scf.for %scan3A_25 = %scan3A_19 to %scan3A_21 step %scan3A_22  : i32 {
      %mul3A_26 = arith.constant 2 : i32
      %mul3A_27 = arith.muli %scan3A_25, %mul3A_26 : i32
      %add3A_28 = arith.constant 0 : i32
      %add3A_29 = arith.addi %mul3A_27, %add3A_28 : i32
      %add3A_30 = arith.constant 1 : i32
      %add3A_31 = arith.addi %add3A_29, %add3A_30 : i32
      %lt3A = arith.constant 80 : i32
      %lt3A_32 = arith.cmpi slt, %add3A_31, %lt3A : i32
      %convert_element_type3A = arith.extui %lt3A_32 : i1 to i32
      %cond3A = arith.constant 0 : i32
      %cond3A_33 = arith.cmpi ne, %convert_element_type3A, %cond3A : i32
      scf.if %cond3A_33 {
        %add3A_68 = arith.constant 1 : i32
        %add3A_69 = arith.addi %add3A_29, %add3A_68 : i32
        %dma_start3A_70 = arith.constant 1 : i32
        %dma_start3A_71 = arith.constant 0 : i32
        %dma_start3A_72 = arith.constant 0 : i32
        %dma_start3A_73 = tpu.memref_slice %arg8[%dma_start3A_70, %dma_start3A_71, %dma_start3A_72] : memref<2x128x16xf32, #tpu.memory_space<vmem>> -> memref<1x128x16xf32, #tpu.memory_space<vmem>>
        %dma_start3A_74 = tpu.memref_squeeze %dma_start3A_73 : memref<1x128x16xf32, #tpu.memory_space<vmem>> -> memref<128x16xf32, #tpu.memory_space<vmem>>
        %dma_start3A_75 = arith.constant 0 : i32
        %dma_start3A_76 = tpu.memref_slice %arg6[%add3A_69, %dma_start3A_75] : memref<80x128xi32, #tpu.memory_space<vmem>> -> memref<1x128xi32, #tpu.memory_space<vmem>>
        %dma_start3A_77 = tpu.memref_squeeze %dma_start3A_76 : memref<1x128xi32, #tpu.memory_space<vmem>> -> memref<128xi32, #tpu.memory_space<vmem>>
        %dma_start3A_78 = arith.constant 0 : i32
        %dma_start3A_79 = arith.constant 0 : i32
        %dma_start3A_80 = tpu.memref_slice %arg2[%dma_start3A_78, %dma_start3A_79] : memref<10240x16xf32, #tpu.memory_space<hbm>> -> memref<10240x16xf32, #tpu.memory_space<hbm>>
        tpu.enqueue_indirect_dma source(%dma_start3A_80 : memref<10240x16xf32, #tpu.memory_space<hbm>>) target(%dma_start3A_74 : memref<128x16xf32, #tpu.memory_space<vmem>>) offsets(%dma_start3A_77 : memref<128xi32, #tpu.memory_space<vmem>>) semaphore(%arg10 : memref<!tpu.dma_semaphore, #tpu.memory_space<semaphore_mem>>)
      } else {
      }
      %dma_wait3A = arith.constant 0 : i32
      %dma_wait3A_34 = arith.constant 0 : i32
      %dma_wait3A_35 = arith.constant 0 : i32
      %dma_wait3A_36 = tpu.memref_slice %arg8[%dma_wait3A, %dma_wait3A_34, %dma_wait3A_35] : memref<2x128x16xf32, #tpu.memory_space<vmem>> -> memref<1x128x16xf32, #tpu.memory_space<vmem>>
      %dma_wait3A_37 = tpu.memref_squeeze %dma_wait3A_36 : memref<1x128x16xf32, #tpu.memory_space<vmem>> -> memref<128x16xf32, #tpu.memory_space<vmem>>
      %dma_wait3A_38 = arith.constant 0 : i32
      %dma_wait3A_39 = tpu.memref_slice %arg6[%add3A_29, %dma_wait3A_38] : memref<80x128xi32, #tpu.memory_space<vmem>> -> memref<1x128xi32, #tpu.memory_space<vmem>>
      %dma_wait3A_40 = tpu.memref_squeeze %dma_wait3A_39 : memref<1x128xi32, #tpu.memory_space<vmem>> -> memref<128xi32, #tpu.memory_space<vmem>>
      %dma_wait3A_41 = arith.constant 0 : i32
      %dma_wait3A_42 = arith.constant 0 : i32
      %dma_wait3A_43 = tpu.memref_slice %arg2[%dma_wait3A_41, %dma_wait3A_42] : memref<10240x16xf32, #tpu.memory_space<hbm>> -> memref<10240x16xf32, #tpu.memory_space<hbm>>
      tpu.wait_indirect_dma semaphore(%arg9 : memref<!tpu.dma_semaphore, #tpu.memory_space<semaphore_mem>>) src(%dma_wait3A_43 : memref<10240x16xf32, #tpu.memory_space<hbm>>) dst(%dma_wait3A_37 : memref<128x16xf32, #tpu.memory_space<vmem>>)
      %run_scoped3A_44 = arith.constant 0 : i32
      "tpu.region"() ({
        %run_scoped3A_68 = tpu.sem_alloc : memref<!tpu.dma_semaphore, #tpu.memory_space<semaphore_mem>>
        %dma_start3A_69 = arith.constant 0 : i32
        %dma_start3A_70 = arith.constant 0 : i32
        %dma_start3A_71 = tpu.memref_slice %arg8[%run_scoped3A_44, %dma_start3A_69, %dma_start3A_70] : memref<2x128x16xf32, #tpu.memory_space<vmem>> -> memref<1x128x16xf32, #tpu.memory_space<vmem>>
        %dma_start3A_72 = tpu.memref_squeeze %dma_start3A_71 : memref<1x128x16xf32, #tpu.memory_space<vmem>> -> memref<128x16xf32, #tpu.memory_space<vmem>>
        %dma_start3A_73 = arith.constant 0 : i32
        %dma_start3A_74 = tpu.memref_slice %arg7[%add3A_29, %dma_start3A_73] : memref<80x128xi32, #tpu.memory_space<vmem>> -> memref<1x128xi32, #tpu.memory_space<vmem>>
        %dma_start3A_75 = tpu.memref_squeeze %dma_start3A_74 : memref<1x128xi32, #tpu.memory_space<vmem>> -> memref<128xi32, #tpu.memory_space<vmem>>
        %dma_start3A_76 = arith.constant 0 : i32
        %dma_start3A_77 = arith.constant 0 : i32
        %dma_start3A_78 = tpu.memref_slice %arg5[%dma_start3A_76, %dma_start3A_77] : memref<10240x16xf32, #tpu.memory_space<vmem_shared>> -> memref<10240x16xf32, #tpu.memory_space<vmem_shared>>
        tpu.enqueue_indirect_dma source(%dma_start3A_72 : memref<128x16xf32, #tpu.memory_space<vmem>>) target(%dma_start3A_78 : memref<10240x16xf32, #tpu.memory_space<vmem_shared>>) offsets(%dma_start3A_75 : memref<128xi32, #tpu.memory_space<vmem>>) semaphore(%run_scoped3A_68 : memref<!tpu.dma_semaphore, #tpu.memory_space<semaphore_mem>>) {add = true}
        %dma_wait3A_79 = arith.constant 0 : i32
        %dma_wait3A_80 = arith.constant 0 : i32
        %dma_wait3A_81 = tpu.memref_slice %arg8[%run_scoped3A_44, %dma_wait3A_79, %dma_wait3A_80] : memref<2x128x16xf32, #tpu.memory_space<vmem>> -> memref<1x128x16xf32, #tpu.memory_space<vmem>>
        %dma_wait3A_82 = tpu.memref_squeeze %dma_wait3A_81 : memref<1x128x16xf32, #tpu.memory_space<vmem>> -> memref<128x16xf32, #tpu.memory_space<vmem>>
        %dma_wait3A_83 = arith.constant 0 : i32
        %dma_wait3A_84 = tpu.memref_slice %arg7[%add3A_29, %dma_wait3A_83] : memref<80x128xi32, #tpu.memory_space<vmem>> -> memref<1x128xi32, #tpu.memory_space<vmem>>
        %dma_wait3A_85 = tpu.memref_squeeze %dma_wait3A_84 : memref<1x128xi32, #tpu.memory_space<vmem>> -> memref<128xi32, #tpu.memory_space<vmem>>
        %dma_wait3A_86 = arith.constant 0 : i32
        %dma_wait3A_87 = arith.constant 0 : i32
        %dma_wait3A_88 = tpu.memref_slice %arg5[%dma_wait3A_86, %dma_wait3A_87] : memref<10240x16xf32, #tpu.memory_space<vmem_shared>> -> memref<10240x16xf32, #tpu.memory_space<vmem_shared>>
        tpu.wait_indirect_dma semaphore(%run_scoped3A_68 : memref<!tpu.dma_semaphore, #tpu.memory_space<semaphore_mem>>) src(%dma_wait3A_82 : memref<128x16xf32, #tpu.memory_space<vmem>>) dst(%dma_wait3A_88 : memref<10240x16xf32, #tpu.memory_space<vmem_shared>>)
        tpu.yield
      }) : () -> ()
      %mul3A_45 = arith.constant 2 : i32
      %mul3A_46 = arith.muli %scan3A_25, %mul3A_45 : i32
      %add3A_47 = arith.constant 1 : i32
      %add3A_48 = arith.addi %mul3A_46, %add3A_47 : i32
      %add3A_49 = arith.constant 1 : i32
      %add3A_50 = arith.addi %add3A_48, %add3A_49 : i32
      %lt3A_51 = arith.constant 80 : i32
      %lt3A_52 = arith.cmpi slt, %add3A_50, %lt3A_51 : i32
      %convert_element_type3A_53 = arith.extui %lt3A_52 : i1 to i32
      %cond3A_54 = arith.constant 0 : i32
      %cond3A_55 = arith.cmpi ne, %convert_element_type3A_53, %cond3A_54 : i32
      scf.if %cond3A_55 {
        %add3A_68 = arith.constant 1 : i32
        %add3A_69 = arith.addi %add3A_48, %add3A_68 : i32
        %dma_start3A_70 = arith.constant 0 : i32
        %dma_start3A_71 = arith.constant 0 : i32
        %dma_start3A_72 = arith.constant 0 : i32
        %dma_start3A_73 = tpu.memref_slice %arg8[%dma_start3A_70, %dma_start3A_71, %dma_start3A_72] : memref<2x128x16xf32, #tpu.memory_space<vmem>> -> memref<1x128x16xf32, #tpu.memory_space<vmem>>
        %dma_start3A_74 = tpu.memref_squeeze %dma_start3A_73 : memref<1x128x16xf32, #tpu.memory_space<vmem>> -> memref<128x16xf32, #tpu.memory_space<vmem>>
        %dma_start3A_75 = arith.constant 0 : i32
        %dma_start3A_76 = tpu.memref_slice %arg6[%add3A_69, %dma_start3A_75] : memref<80x128xi32, #tpu.memory_space<vmem>> -> memref<1x128xi32, #tpu.memory_space<vmem>>
        %dma_start3A_77 = tpu.memref_squeeze %dma_start3A_76 : memref<1x128xi32, #tpu.memory_space<vmem>> -> memref<128xi32, #tpu.memory_space<vmem>>
        %dma_start3A_78 = arith.constant 0 : i32
        %dma_start3A_79 = arith.constant 0 : i32
        %dma_start3A_80 = tpu.memref_slice %arg2[%dma_start3A_78, %dma_start3A_79] : memref<10240x16xf32, #tpu.memory_space<hbm>> -> memref<10240x16xf32, #tpu.memory_space<hbm>>
        tpu.enqueue_indirect_dma source(%dma_start3A_80 : memref<10240x16xf32, #tpu.memory_space<hbm>>) target(%dma_start3A_74 : memref<128x16xf32, #tpu.memory_space<vmem>>) offsets(%dma_start3A_77 : memref<128xi32, #tpu.memory_space<vmem>>) semaphore(%arg9 : memref<!tpu.dma_semaphore, #tpu.memory_space<semaphore_mem>>)
      } else {
      }
      %dma_wait3A_56 = arith.constant 1 : i32
      %dma_wait3A_57 = arith.constant 0 : i32
      %dma_wait3A_58 = arith.constant 0 : i32
      %dma_wait3A_59 = tpu.memref_slice %arg8[%dma_wait3A_56, %dma_wait3A_57, %dma_wait3A_58] : memref<2x128x16xf32, #tpu.memory_space<vmem>> -> memref<1x128x16xf32, #tpu.memory_space<vmem>>
      %dma_wait3A_60 = tpu.memref_squeeze %dma_wait3A_59 : memref<1x128x16xf32, #tpu.memory_space<vmem>> -> memref<128x16xf32, #tpu.memory_space<vmem>>
      %dma_wait3A_61 = arith.constant 0 : i32
      %dma_wait3A_62 = tpu.memref_slice %arg6[%add3A_48, %dma_wait3A_61] : memref<80x128xi32, #tpu.memory_space<vmem>> -> memref<1x128xi32, #tpu.memory_space<vmem>>
      %dma_wait3A_63 = tpu.memref_squeeze %dma_wait3A_62 : memref<1x128xi32, #tpu.memory_space<vmem>> -> memref<128xi32, #tpu.memory_space<vmem>>
      %dma_wait3A_64 = arith.constant 0 : i32
      %dma_wait3A_65 = arith.constant 0 : i32
      %dma_wait3A_66 = tpu.memref_slice %arg2[%dma_wait3A_64, %dma_wait3A_65] : memref<10240x16xf32, #tpu.memory_space<hbm>> -> memref<10240x16xf32, #tpu.memory_space<hbm>>
      tpu.wait_indirect_dma semaphore(%arg10 : memref<!tpu.dma_semaphore, #tpu.memory_space<semaphore_mem>>) src(%dma_wait3A_66 : memref<10240x16xf32, #tpu.memory_space<hbm>>) dst(%dma_wait3A_60 : memref<128x16xf32, #tpu.memory_space<vmem>>)
      %run_scoped3A_67 = arith.constant 1 : i32
      "tpu.region"() ({
        %run_scoped3A_68 = tpu.sem_alloc : memref<!tpu.dma_semaphore, #tpu.memory_space<semaphore_mem>>
        %dma_start3A_69 = arith.constant 0 : i32
        %dma_start3A_70 = arith.constant 0 : i32
        %dma_start3A_71 = tpu.memref_slice %arg8[%run_scoped3A_67, %dma_start3A_69, %dma_start3A_70] : memref<2x128x16xf32, #tpu.memory_space<vmem>> -> memref<1x128x16xf32, #tpu.memory_space<vmem>>
        %dma_start3A_72 = tpu.memref_squeeze %dma_start3A_71 : memref<1x128x16xf32, #tpu.memory_space<vmem>> -> memref<128x16xf32, #tpu.memory_space<vmem>>
        %dma_start3A_73 = arith.constant 0 : i32
        %dma_start3A_74 = tpu.memref_slice %arg7[%add3A_48, %dma_start3A_73] : memref<80x128xi32, #tpu.memory_space<vmem>> -> memref<1x128xi32, #tpu.memory_space<vmem>>
        %dma_start3A_75 = tpu.memref_squeeze %dma_start3A_74 : memref<1x128xi32, #tpu.memory_space<vmem>> -> memref<128xi32, #tpu.memory_space<vmem>>
        %dma_start3A_76 = arith.constant 0 : i32
        %dma_start3A_77 = arith.constant 0 : i32
        %dma_start3A_78 = tpu.memref_slice %arg5[%dma_start3A_76, %dma_start3A_77] : memref<10240x16xf32, #tpu.memory_space<vmem_shared>> -> memref<10240x16xf32, #tpu.memory_space<vmem_shared>>
        tpu.enqueue_indirect_dma source(%dma_start3A_72 : memref<128x16xf32, #tpu.memory_space<vmem>>) target(%dma_start3A_78 : memref<10240x16xf32, #tpu.memory_space<vmem_shared>>) offsets(%dma_start3A_75 : memref<128xi32, #tpu.memory_space<vmem>>) semaphore(%run_scoped3A_68 : memref<!tpu.dma_semaphore, #tpu.memory_space<semaphore_mem>>) {add = true}
        %dma_wait3A_79 = arith.constant 0 : i32
        %dma_wait3A_80 = arith.constant 0 : i32
        %dma_wait3A_81 = tpu.memref_slice %arg8[%run_scoped3A_67, %dma_wait3A_79, %dma_wait3A_80] : memref<2x128x16xf32, #tpu.memory_space<vmem>> -> memref<1x128x16xf32, #tpu.memory_space<vmem>>
        %dma_wait3A_82 = tpu.memref_squeeze %dma_wait3A_81 : memref<1x128x16xf32, #tpu.memory_space<vmem>> -> memref<128x16xf32, #tpu.memory_space<vmem>>
        %dma_wait3A_83 = arith.constant 0 : i32
        %dma_wait3A_84 = tpu.memref_slice %arg7[%add3A_48, %dma_wait3A_83] : memref<80x128xi32, #tpu.memory_space<vmem>> -> memref<1x128xi32, #tpu.memory_space<vmem>>
        %dma_wait3A_85 = tpu.memref_squeeze %dma_wait3A_84 : memref<1x128xi32, #tpu.memory_space<vmem>> -> memref<128xi32, #tpu.memory_space<vmem>>
        %dma_wait3A_86 = arith.constant 0 : i32
        %dma_wait3A_87 = arith.constant 0 : i32
        %dma_wait3A_88 = tpu.memref_slice %arg5[%dma_wait3A_86, %dma_wait3A_87] : memref<10240x16xf32, #tpu.memory_space<vmem_shared>> -> memref<10240x16xf32, #tpu.memory_space<vmem_shared>>
        tpu.wait_indirect_dma semaphore(%run_scoped3A_68 : memref<!tpu.dma_semaphore, #tpu.memory_space<semaphore_mem>>) src(%dma_wait3A_82 : memref<128x16xf32, #tpu.memory_space<vmem>>) dst(%dma_wait3A_88 : memref<10240x16xf32, #tpu.memory_space<vmem_shared>>)
        tpu.yield
      }) : () -> ()
    }
    %scan3A_23 = arith.constant 40 : i32
    %barrier3A_24 = arith.constant 0 : index
    tpu.barrier barrier_id(%barrier3A_24)
    "tpu.region"() ({
      %run_scoped3A_25 = tpu.sem_alloc : memref<!tpu.dma_semaphore, #tpu.memory_space<semaphore_mem>>
      %dma_start3A_26 = arith.constant 0 : i32
      %dma_start3A_27 = tpu.memref_slice %arg4[%arg0, %mul3A_0, %dma_start3A_26] : memref<2x10240x16xf32, #tpu.memory_space<hbm>> -> memref<1x640x16xf32, #tpu.memory_space<hbm>>
      %dma_start3A_28 = tpu.memref_squeeze %dma_start3A_27 : memref<1x640x16xf32, #tpu.memory_space<hbm>> -> memref<640x16xf32, #tpu.memory_space<hbm>>
      %dma_start3A_29 = arith.constant 0 : i32
      %dma_start3A_30 = tpu.memref_slice %arg5[%mul3A_0, %dma_start3A_29] : memref<10240x16xf32, #tpu.memory_space<vmem_shared>> -> memref<640x16xf32, #tpu.memory_space<vmem_shared>>
      tpu.enqueue_dma source(%dma_start3A_30 : memref<640x16xf32, #tpu.memory_space<vmem_shared>>) target(%dma_start3A_28 : memref<640x16xf32, #tpu.memory_space<hbm>>) target_semaphore(%run_scoped3A_25 : memref<!tpu.dma_semaphore, #tpu.memory_space<semaphore_mem>>)
      %dma_wait3A = arith.constant 0 : i32
      %dma_wait3A_31 = tpu.memref_slice %arg4[%arg0, %mul3A_0, %dma_wait3A] : memref<2x10240x16xf32, #tpu.memory_space<hbm>> -> memref<1x640x16xf32, #tpu.memory_space<hbm>>
      %dma_wait3A_32 = tpu.memref_squeeze %dma_wait3A_31 : memref<1x640x16xf32, #tpu.memory_space<hbm>> -> memref<640x16xf32, #tpu.memory_space<hbm>>
      %dma_wait3A_33 = arith.constant 0 : i32
      %dma_wait3A_34 = tpu.memref_slice %arg5[%mul3A_0, %dma_wait3A_33] : memref<10240x16xf32, #tpu.memory_space<vmem_shared>> -> memref<640x16xf32, #tpu.memory_space<vmem_shared>>
      tpu.wait_dma2 semaphore(%run_scoped3A_25 : memref<!tpu.dma_semaphore, #tpu.memory_space<semaphore_mem>>) src(%dma_wait3A_34 : memref<640x16xf32, #tpu.memory_space<vmem_shared>>) dst(%dma_wait3A_32 : memref<640x16xf32, #tpu.memory_space<hbm>>)
      tpu.yield
    }) : () -> ()
    return
  }
}

#map = affine_map<(d0, d1) -> (0, 0, 0)>
#map1 = affine_map<(d0, d1) -> (0, 0)>
module attributes {stable_mosaic.version = 14 : i64} {
  func.func @_sc_degree(%arg0: i32, %arg1: i32, %arg2: memref<2x2560x128xi32, #tpu.memory_space<hbm>>, %arg3: memref<2x10240x16xf32, #tpu.memory_space<hbm>>, %arg4: memref<128x16xf32, #tpu.memory_space<hbm>>, %arg5: memref<2x10240x16xf32, #tpu.memory_space<hbm>>, %arg6: memref<10240x16xf32, #tpu.memory_space<vmem_shared>>, %arg7: memref<80x128xi32, #tpu.memory_space<vmem>>, %arg8: memref<128x16xf32, #tpu.memory_space<vmem>>, %arg9: memref<!tpu.dma_semaphore, #tpu.memory_space<semaphore_mem>>) attributes {dimension_semantics = [#tpu.dimension_semantics<core_parallel>, #tpu.dimension_semantics<subcore_parallel>], iteration_bounds = array<i64: 2, 16>, scalar_prefetch = 0 : i64, scratch_operands = 4 : i64, tpu.core_type = #tpu.core_type<sc_vector_subcore>, window_params = [{transform_indices = #map}, {transform_indices = #map}, {transform_indices = #map1}, {transform_indices = #map}]} {
    %mul3A = arith.constant 640 : i32
    %mul3A_0 = arith.muli %arg1, %mul3A : i32
    %mul3A_1 = arith.constant 16 : i32
    %mul3A_2 = arith.muli %arg0, %mul3A_1 : i32
    %add3A = arith.addi %mul3A_2, %arg1 : i32
    %mul3A_3 = arith.constant 80 : i32
    %mul3A_4 = arith.muli %add3A, %mul3A_3 : i32
    %run_scoped3A = arith.constant 1 : i32
    "tpu.region"() ({
      %run_scoped3A_11 = tpu.sem_alloc : memref<!tpu.dma_semaphore, #tpu.memory_space<semaphore_mem>>
      %dma_start3A = arith.constant 0 : i32
      %dma_start3A_12 = arith.constant 0 : i32
      %dma_start3A_13 = tpu.memref_slice %arg2[%run_scoped3A, %dma_start3A, %dma_start3A_12] : memref<2x2560x128xi32, #tpu.memory_space<hbm>> -> memref<1x2560x128xi32, #tpu.memory_space<hbm>>
      %dma_start3A_14 = tpu.memref_squeeze %dma_start3A_13 : memref<1x2560x128xi32, #tpu.memory_space<hbm>> -> memref<2560x128xi32, #tpu.memory_space<hbm>>
      %dma_start3A_15 = arith.constant 0 : i32
      %dma_start3A_16 = tpu.memref_slice %dma_start3A_14[%mul3A_4, %dma_start3A_15] : memref<2560x128xi32, #tpu.memory_space<hbm>> -> memref<80x128xi32, #tpu.memory_space<hbm>>
      %dma_start3A_17 = arith.constant 0 : i32
      %dma_start3A_18 = arith.constant 0 : i32
      %dma_start3A_19 = tpu.memref_slice %arg2[%run_scoped3A, %dma_start3A_17, %dma_start3A_18] : memref<2x2560x128xi32, #tpu.memory_space<hbm>> -> memref<1x2560x128xi32, #tpu.memory_space<hbm>>
      %dma_start3A_20 = tpu.memref_squeeze %dma_start3A_19 : memref<1x2560x128xi32, #tpu.memory_space<hbm>> -> memref<2560x128xi32, #tpu.memory_space<hbm>>
      %dma_start3A_21 = arith.constant 0 : i32
      %dma_start3A_22 = tpu.memref_slice %dma_start3A_20[%mul3A_4, %dma_start3A_21] : memref<2560x128xi32, #tpu.memory_space<hbm>> -> memref<80x128xi32, #tpu.memory_space<hbm>>
      tpu.enqueue_dma source(%dma_start3A_22 : memref<80x128xi32, #tpu.memory_space<hbm>>) target(%arg7 : memref<80x128xi32, #tpu.memory_space<vmem>>) target_semaphore(%run_scoped3A_11 : memref<!tpu.dma_semaphore, #tpu.memory_space<semaphore_mem>>)
      %dma_wait3A = arith.constant 0 : i32
      %dma_wait3A_23 = arith.constant 0 : i32
      %dma_wait3A_24 = tpu.memref_slice %arg2[%run_scoped3A, %dma_wait3A, %dma_wait3A_23] : memref<2x2560x128xi32, #tpu.memory_space<hbm>> -> memref<1x2560x128xi32, #tpu.memory_space<hbm>>
      %dma_wait3A_25 = tpu.memref_squeeze %dma_wait3A_24 : memref<1x2560x128xi32, #tpu.memory_space<hbm>> -> memref<2560x128xi32, #tpu.memory_space<hbm>>
      %dma_wait3A_26 = arith.constant 0 : i32
      %dma_wait3A_27 = tpu.memref_slice %dma_wait3A_25[%mul3A_4, %dma_wait3A_26] : memref<2560x128xi32, #tpu.memory_space<hbm>> -> memref<80x128xi32, #tpu.memory_space<hbm>>
      %dma_wait3A_28 = arith.constant 0 : i32
      %dma_wait3A_29 = arith.constant 0 : i32
      %dma_wait3A_30 = tpu.memref_slice %arg2[%run_scoped3A, %dma_wait3A_28, %dma_wait3A_29] : memref<2x2560x128xi32, #tpu.memory_space<hbm>> -> memref<1x2560x128xi32, #tpu.memory_space<hbm>>
      %dma_wait3A_31 = tpu.memref_squeeze %dma_wait3A_30 : memref<1x2560x128xi32, #tpu.memory_space<hbm>> -> memref<2560x128xi32, #tpu.memory_space<hbm>>
      %dma_wait3A_32 = arith.constant 0 : i32
      %dma_wait3A_33 = tpu.memref_slice %dma_wait3A_31[%mul3A_4, %dma_wait3A_32] : memref<2560x128xi32, #tpu.memory_space<hbm>> -> memref<80x128xi32, #tpu.memory_space<hbm>>
      tpu.wait_dma2 semaphore(%run_scoped3A_11 : memref<!tpu.dma_semaphore, #tpu.memory_space<semaphore_mem>>) src(%dma_wait3A_33 : memref<80x128xi32, #tpu.memory_space<hbm>>) dst(%arg7 : memref<80x128xi32, #tpu.memory_space<vmem>>)
      tpu.yield
    }) : () -> ()
    "tpu.region"() ({
      %run_scoped3A_11 = tpu.sem_alloc : memref<!tpu.dma_semaphore, #tpu.memory_space<semaphore_mem>>
      %dma_start3A = arith.constant 0 : i32
      %dma_start3A_12 = tpu.memref_slice %arg6[%mul3A_0, %dma_start3A] : memref<10240x16xf32, #tpu.memory_space<vmem_shared>> -> memref<640x16xf32, #tpu.memory_space<vmem_shared>>
      %dma_start3A_13 = arith.constant 0 : i32
      %dma_start3A_14 = tpu.memref_slice %arg3[%arg0, %mul3A_0, %dma_start3A_13] : memref<2x10240x16xf32, #tpu.memory_space<hbm>> -> memref<1x640x16xf32, #tpu.memory_space<hbm>>
      %dma_start3A_15 = tpu.memref_squeeze %dma_start3A_14 : memref<1x640x16xf32, #tpu.memory_space<hbm>> -> memref<640x16xf32, #tpu.memory_space<hbm>>
      tpu.enqueue_dma source(%dma_start3A_15 : memref<640x16xf32, #tpu.memory_space<hbm>>) target(%dma_start3A_12 : memref<640x16xf32, #tpu.memory_space<vmem_shared>>) target_semaphore(%run_scoped3A_11 : memref<!tpu.dma_semaphore, #tpu.memory_space<semaphore_mem>>)
      %dma_wait3A = arith.constant 0 : i32
      %dma_wait3A_16 = tpu.memref_slice %arg6[%mul3A_0, %dma_wait3A] : memref<10240x16xf32, #tpu.memory_space<vmem_shared>> -> memref<640x16xf32, #tpu.memory_space<vmem_shared>>
      %dma_wait3A_17 = arith.constant 0 : i32
      %dma_wait3A_18 = tpu.memref_slice %arg3[%arg0, %mul3A_0, %dma_wait3A_17] : memref<2x10240x16xf32, #tpu.memory_space<hbm>> -> memref<1x640x16xf32, #tpu.memory_space<hbm>>
      %dma_wait3A_19 = tpu.memref_squeeze %dma_wait3A_18 : memref<1x640x16xf32, #tpu.memory_space<hbm>> -> memref<640x16xf32, #tpu.memory_space<hbm>>
      tpu.wait_dma2 semaphore(%run_scoped3A_11 : memref<!tpu.dma_semaphore, #tpu.memory_space<semaphore_mem>>) src(%dma_wait3A_19 : memref<640x16xf32, #tpu.memory_space<hbm>>) dst(%dma_wait3A_16 : memref<640x16xf32, #tpu.memory_space<vmem_shared>>)
      tpu.yield
    }) : () -> ()
    "tpu.region"() ({
      %run_scoped3A_11 = tpu.sem_alloc : memref<!tpu.dma_semaphore, #tpu.memory_space<semaphore_mem>>
      tpu.enqueue_dma source(%arg4 : memref<128x16xf32, #tpu.memory_space<hbm>>) target(%arg8 : memref<128x16xf32, #tpu.memory_space<vmem>>) target_semaphore(%run_scoped3A_11 : memref<!tpu.dma_semaphore, #tpu.memory_space<semaphore_mem>>)
      tpu.wait_dma2 semaphore(%run_scoped3A_11 : memref<!tpu.dma_semaphore, #tpu.memory_space<semaphore_mem>>) src(%arg4 : memref<128x16xf32, #tpu.memory_space<hbm>>) dst(%arg8 : memref<128x16xf32, #tpu.memory_space<vmem>>)
      tpu.yield
    }) : () -> ()
    %barrier3A = arith.constant 0 : index
    tpu.barrier barrier_id(%barrier3A)
    %scan3A = arith.constant 0 : i32
    %scan3A_5 = arith.constant 0 : i32
    %scan3A_6 = arith.constant 10 : i32
    %scan3A_7 = arith.addi %scan3A_5, %scan3A_6 : i32
    %scan3A_8 = arith.constant 1 : i32
    scf.for %scan3A_11 = %scan3A_5 to %scan3A_7 step %scan3A_8  : i32 {
      %mul3A_12 = arith.constant 8 : i32
      %mul3A_13 = arith.muli %scan3A_11, %mul3A_12 : i32
      %add3A_14 = arith.constant 0 : i32
      %add3A_15 = arith.addi %mul3A_13, %add3A_14 : i32
      %dma_start3A = arith.constant 0 : i32
      %dma_start3A_16 = tpu.memref_slice %arg7[%add3A_15, %dma_start3A] : memref<80x128xi32, #tpu.memory_space<vmem>> -> memref<1x128xi32, #tpu.memory_space<vmem>>
      %dma_start3A_17 = tpu.memref_squeeze %dma_start3A_16 : memref<1x128xi32, #tpu.memory_space<vmem>> -> memref<128xi32, #tpu.memory_space<vmem>>
      %dma_start3A_18 = arith.constant 0 : i32
      %dma_start3A_19 = arith.constant 0 : i32
      %dma_start3A_20 = tpu.memref_slice %arg6[%dma_start3A_18, %dma_start3A_19] : memref<10240x16xf32, #tpu.memory_space<vmem_shared>> -> memref<10240x16xf32, #tpu.memory_space<vmem_shared>>
      tpu.enqueue_indirect_dma source(%arg8 : memref<128x16xf32, #tpu.memory_space<vmem>>) target(%dma_start3A_20 : memref<10240x16xf32, #tpu.memory_space<vmem_shared>>) offsets(%dma_start3A_17 : memref<128xi32, #tpu.memory_space<vmem>>) semaphore(%arg9 : memref<!tpu.dma_semaphore, #tpu.memory_space<semaphore_mem>>) {add = true}
      %mul3A_21 = arith.constant 8 : i32
      %mul3A_22 = arith.muli %scan3A_11, %mul3A_21 : i32
      %add3A_23 = arith.constant 1 : i32
      %add3A_24 = arith.addi %mul3A_22, %add3A_23 : i32
      %dma_start3A_25 = arith.constant 0 : i32
      %dma_start3A_26 = tpu.memref_slice %arg7[%add3A_24, %dma_start3A_25] : memref<80x128xi32, #tpu.memory_space<vmem>> -> memref<1x128xi32, #tpu.memory_space<vmem>>
      %dma_start3A_27 = tpu.memref_squeeze %dma_start3A_26 : memref<1x128xi32, #tpu.memory_space<vmem>> -> memref<128xi32, #tpu.memory_space<vmem>>
      %dma_start3A_28 = arith.constant 0 : i32
      %dma_start3A_29 = arith.constant 0 : i32
      %dma_start3A_30 = tpu.memref_slice %arg6[%dma_start3A_28, %dma_start3A_29] : memref<10240x16xf32, #tpu.memory_space<vmem_shared>> -> memref<10240x16xf32, #tpu.memory_space<vmem_shared>>
      tpu.enqueue_indirect_dma source(%arg8 : memref<128x16xf32, #tpu.memory_space<vmem>>) target(%dma_start3A_30 : memref<10240x16xf32, #tpu.memory_space<vmem_shared>>) offsets(%dma_start3A_27 : memref<128xi32, #tpu.memory_space<vmem>>) semaphore(%arg9 : memref<!tpu.dma_semaphore, #tpu.memory_space<semaphore_mem>>) {add = true}
      %mul3A_31 = arith.constant 8 : i32
      %mul3A_32 = arith.muli %scan3A_11, %mul3A_31 : i32
      %add3A_33 = arith.constant 2 : i32
      %add3A_34 = arith.addi %mul3A_32, %add3A_33 : i32
      %dma_start3A_35 = arith.constant 0 : i32
      %dma_start3A_36 = tpu.memref_slice %arg7[%add3A_34, %dma_start3A_35] : memref<80x128xi32, #tpu.memory_space<vmem>> -> memref<1x128xi32, #tpu.memory_space<vmem>>
      %dma_start3A_37 = tpu.memref_squeeze %dma_start3A_36 : memref<1x128xi32, #tpu.memory_space<vmem>> -> memref<128xi32, #tpu.memory_space<vmem>>
      %dma_start3A_38 = arith.constant 0 : i32
      %dma_start3A_39 = arith.constant 0 : i32
      %dma_start3A_40 = tpu.memref_slice %arg6[%dma_start3A_38, %dma_start3A_39] : memref<10240x16xf32, #tpu.memory_space<vmem_shared>> -> memref<10240x16xf32, #tpu.memory_space<vmem_shared>>
      tpu.enqueue_indirect_dma source(%arg8 : memref<128x16xf32, #tpu.memory_space<vmem>>) target(%dma_start3A_40 : memref<10240x16xf32, #tpu.memory_space<vmem_shared>>) offsets(%dma_start3A_37 : memref<128xi32, #tpu.memory_space<vmem>>) semaphore(%arg9 : memref<!tpu.dma_semaphore, #tpu.memory_space<semaphore_mem>>) {add = true}
      %mul3A_41 = arith.constant 8 : i32
      %mul3A_42 = arith.muli %scan3A_11, %mul3A_41 : i32
      %add3A_43 = arith.constant 3 : i32
      %add3A_44 = arith.addi %mul3A_42, %add3A_43 : i32
      %dma_start3A_45 = arith.constant 0 : i32
      %dma_start3A_46 = tpu.memref_slice %arg7[%add3A_44, %dma_start3A_45] : memref<80x128xi32, #tpu.memory_space<vmem>> -> memref<1x128xi32, #tpu.memory_space<vmem>>
      %dma_start3A_47 = tpu.memref_squeeze %dma_start3A_46 : memref<1x128xi32, #tpu.memory_space<vmem>> -> memref<128xi32, #tpu.memory_space<vmem>>
      %dma_start3A_48 = arith.constant 0 : i32
      %dma_start3A_49 = arith.constant 0 : i32
      %dma_start3A_50 = tpu.memref_slice %arg6[%dma_start3A_48, %dma_start3A_49] : memref<10240x16xf32, #tpu.memory_space<vmem_shared>> -> memref<10240x16xf32, #tpu.memory_space<vmem_shared>>
      tpu.enqueue_indirect_dma source(%arg8 : memref<128x16xf32, #tpu.memory_space<vmem>>) target(%dma_start3A_50 : memref<10240x16xf32, #tpu.memory_space<vmem_shared>>) offsets(%dma_start3A_47 : memref<128xi32, #tpu.memory_space<vmem>>) semaphore(%arg9 : memref<!tpu.dma_semaphore, #tpu.memory_space<semaphore_mem>>) {add = true}
      %mul3A_51 = arith.constant 8 : i32
      %mul3A_52 = arith.muli %scan3A_11, %mul3A_51 : i32
      %add3A_53 = arith.constant 4 : i32
      %add3A_54 = arith.addi %mul3A_52, %add3A_53 : i32
      %dma_start3A_55 = arith.constant 0 : i32
      %dma_start3A_56 = tpu.memref_slice %arg7[%add3A_54, %dma_start3A_55] : memref<80x128xi32, #tpu.memory_space<vmem>> -> memref<1x128xi32, #tpu.memory_space<vmem>>
      %dma_start3A_57 = tpu.memref_squeeze %dma_start3A_56 : memref<1x128xi32, #tpu.memory_space<vmem>> -> memref<128xi32, #tpu.memory_space<vmem>>
      %dma_start3A_58 = arith.constant 0 : i32
      %dma_start3A_59 = arith.constant 0 : i32
      %dma_start3A_60 = tpu.memref_slice %arg6[%dma_start3A_58, %dma_start3A_59] : memref<10240x16xf32, #tpu.memory_space<vmem_shared>> -> memref<10240x16xf32, #tpu.memory_space<vmem_shared>>
      tpu.enqueue_indirect_dma source(%arg8 : memref<128x16xf32, #tpu.memory_space<vmem>>) target(%dma_start3A_60 : memref<10240x16xf32, #tpu.memory_space<vmem_shared>>) offsets(%dma_start3A_57 : memref<128xi32, #tpu.memory_space<vmem>>) semaphore(%arg9 : memref<!tpu.dma_semaphore, #tpu.memory_space<semaphore_mem>>) {add = true}
      %mul3A_61 = arith.constant 8 : i32
      %mul3A_62 = arith.muli %scan3A_11, %mul3A_61 : i32
      %add3A_63 = arith.constant 5 : i32
      %add3A_64 = arith.addi %mul3A_62, %add3A_63 : i32
      %dma_start3A_65 = arith.constant 0 : i32
      %dma_start3A_66 = tpu.memref_slice %arg7[%add3A_64, %dma_start3A_65] : memref<80x128xi32, #tpu.memory_space<vmem>> -> memref<1x128xi32, #tpu.memory_space<vmem>>
      %dma_start3A_67 = tpu.memref_squeeze %dma_start3A_66 : memref<1x128xi32, #tpu.memory_space<vmem>> -> memref<128xi32, #tpu.memory_space<vmem>>
      %dma_start3A_68 = arith.constant 0 : i32
      %dma_start3A_69 = arith.constant 0 : i32
      %dma_start3A_70 = tpu.memref_slice %arg6[%dma_start3A_68, %dma_start3A_69] : memref<10240x16xf32, #tpu.memory_space<vmem_shared>> -> memref<10240x16xf32, #tpu.memory_space<vmem_shared>>
      tpu.enqueue_indirect_dma source(%arg8 : memref<128x16xf32, #tpu.memory_space<vmem>>) target(%dma_start3A_70 : memref<10240x16xf32, #tpu.memory_space<vmem_shared>>) offsets(%dma_start3A_67 : memref<128xi32, #tpu.memory_space<vmem>>) semaphore(%arg9 : memref<!tpu.dma_semaphore, #tpu.memory_space<semaphore_mem>>) {add = true}
      %mul3A_71 = arith.constant 8 : i32
      %mul3A_72 = arith.muli %scan3A_11, %mul3A_71 : i32
      %add3A_73 = arith.constant 6 : i32
      %add3A_74 = arith.addi %mul3A_72, %add3A_73 : i32
      %dma_start3A_75 = arith.constant 0 : i32
      %dma_start3A_76 = tpu.memref_slice %arg7[%add3A_74, %dma_start3A_75] : memref<80x128xi32, #tpu.memory_space<vmem>> -> memref<1x128xi32, #tpu.memory_space<vmem>>
      %dma_start3A_77 = tpu.memref_squeeze %dma_start3A_76 : memref<1x128xi32, #tpu.memory_space<vmem>> -> memref<128xi32, #tpu.memory_space<vmem>>
      %dma_start3A_78 = arith.constant 0 : i32
      %dma_start3A_79 = arith.constant 0 : i32
      %dma_start3A_80 = tpu.memref_slice %arg6[%dma_start3A_78, %dma_start3A_79] : memref<10240x16xf32, #tpu.memory_space<vmem_shared>> -> memref<10240x16xf32, #tpu.memory_space<vmem_shared>>
      tpu.enqueue_indirect_dma source(%arg8 : memref<128x16xf32, #tpu.memory_space<vmem>>) target(%dma_start3A_80 : memref<10240x16xf32, #tpu.memory_space<vmem_shared>>) offsets(%dma_start3A_77 : memref<128xi32, #tpu.memory_space<vmem>>) semaphore(%arg9 : memref<!tpu.dma_semaphore, #tpu.memory_space<semaphore_mem>>) {add = true}
      %mul3A_81 = arith.constant 8 : i32
      %mul3A_82 = arith.muli %scan3A_11, %mul3A_81 : i32
      %add3A_83 = arith.constant 7 : i32
      %add3A_84 = arith.addi %mul3A_82, %add3A_83 : i32
      %dma_start3A_85 = arith.constant 0 : i32
      %dma_start3A_86 = tpu.memref_slice %arg7[%add3A_84, %dma_start3A_85] : memref<80x128xi32, #tpu.memory_space<vmem>> -> memref<1x128xi32, #tpu.memory_space<vmem>>
      %dma_start3A_87 = tpu.memref_squeeze %dma_start3A_86 : memref<1x128xi32, #tpu.memory_space<vmem>> -> memref<128xi32, #tpu.memory_space<vmem>>
      %dma_start3A_88 = arith.constant 0 : i32
      %dma_start3A_89 = arith.constant 0 : i32
      %dma_start3A_90 = tpu.memref_slice %arg6[%dma_start3A_88, %dma_start3A_89] : memref<10240x16xf32, #tpu.memory_space<vmem_shared>> -> memref<10240x16xf32, #tpu.memory_space<vmem_shared>>
      tpu.enqueue_indirect_dma source(%arg8 : memref<128x16xf32, #tpu.memory_space<vmem>>) target(%dma_start3A_90 : memref<10240x16xf32, #tpu.memory_space<vmem_shared>>) offsets(%dma_start3A_87 : memref<128xi32, #tpu.memory_space<vmem>>) semaphore(%arg9 : memref<!tpu.dma_semaphore, #tpu.memory_space<semaphore_mem>>) {add = true}
      %dma_wait3A = arith.constant 0 : i32
      %dma_wait3A_91 = arith.constant 0 : i32
      %dma_wait3A_92 = tpu.memref_slice %arg7[%dma_wait3A, %dma_wait3A_91] : memref<80x128xi32, #tpu.memory_space<vmem>> -> memref<1x128xi32, #tpu.memory_space<vmem>>
      %dma_wait3A_93 = tpu.memref_squeeze %dma_wait3A_92 : memref<1x128xi32, #tpu.memory_space<vmem>> -> memref<128xi32, #tpu.memory_space<vmem>>
      %dma_wait3A_94 = arith.constant 0 : i32
      %dma_wait3A_95 = arith.constant 0 : i32
      %dma_wait3A_96 = tpu.memref_slice %arg6[%dma_wait3A_94, %dma_wait3A_95] : memref<10240x16xf32, #tpu.memory_space<vmem_shared>> -> memref<10240x16xf32, #tpu.memory_space<vmem_shared>>
      tpu.wait_indirect_dma semaphore(%arg9 : memref<!tpu.dma_semaphore, #tpu.memory_space<semaphore_mem>>) src(%arg8 : memref<128x16xf32, #tpu.memory_space<vmem>>) dst(%dma_wait3A_96 : memref<10240x16xf32, #tpu.memory_space<vmem_shared>>)
      %dma_wait3A_97 = arith.constant 0 : i32
      %dma_wait3A_98 = arith.constant 0 : i32
      %dma_wait3A_99 = tpu.memref_slice %arg7[%dma_wait3A_97, %dma_wait3A_98] : memref<80x128xi32, #tpu.memory_space<vmem>> -> memref<1x128xi32, #tpu.memory_space<vmem>>
      %dma_wait3A_100 = tpu.memref_squeeze %dma_wait3A_99 : memref<1x128xi32, #tpu.memory_space<vmem>> -> memref<128xi32, #tpu.memory_space<vmem>>
      %dma_wait3A_101 = arith.constant 0 : i32
      %dma_wait3A_102 = arith.constant 0 : i32
      %dma_wait3A_103 = tpu.memref_slice %arg6[%dma_wait3A_101, %dma_wait3A_102] : memref<10240x16xf32, #tpu.memory_space<vmem_shared>> -> memref<10240x16xf32, #tpu.memory_space<vmem_shared>>
      tpu.wait_indirect_dma semaphore(%arg9 : memref<!tpu.dma_semaphore, #tpu.memory_space<semaphore_mem>>) src(%arg8 : memref<128x16xf32, #tpu.memory_space<vmem>>) dst(%dma_wait3A_103 : memref<10240x16xf32, #tpu.memory_space<vmem_shared>>)
      %dma_wait3A_104 = arith.constant 0 : i32
      %dma_wait3A_105 = arith.constant 0 : i32
      %dma_wait3A_106 = tpu.memref_slice %arg7[%dma_wait3A_104, %dma_wait3A_105] : memref<80x128xi32, #tpu.memory_space<vmem>> -> memref<1x128xi32, #tpu.memory_space<vmem>>
      %dma_wait3A_107 = tpu.memref_squeeze %dma_wait3A_106 : memref<1x128xi32, #tpu.memory_space<vmem>> -> memref<128xi32, #tpu.memory_space<vmem>>
      %dma_wait3A_108 = arith.constant 0 : i32
      %dma_wait3A_109 = arith.constant 0 : i32
      %dma_wait3A_110 = tpu.memref_slice %arg6[%dma_wait3A_108, %dma_wait3A_109] : memref<10240x16xf32, #tpu.memory_space<vmem_shared>> -> memref<10240x16xf32, #tpu.memory_space<vmem_shared>>
      tpu.wait_indirect_dma semaphore(%arg9 : memref<!tpu.dma_semaphore, #tpu.memory_space<semaphore_mem>>) src(%arg8 : memref<128x16xf32, #tpu.memory_space<vmem>>) dst(%dma_wait3A_110 : memref<10240x16xf32, #tpu.memory_space<vmem_shared>>)
      %dma_wait3A_111 = arith.constant 0 : i32
      %dma_wait3A_112 = arith.constant 0 : i32
      %dma_wait3A_113 = tpu.memref_slice %arg7[%dma_wait3A_111, %dma_wait3A_112] : memref<80x128xi32, #tpu.memory_space<vmem>> -> memref<1x128xi32, #tpu.memory_space<vmem>>
      %dma_wait3A_114 = tpu.memref_squeeze %dma_wait3A_113 : memref<1x128xi32, #tpu.memory_space<vmem>> -> memref<128xi32, #tpu.memory_space<vmem>>
      %dma_wait3A_115 = arith.constant 0 : i32
      %dma_wait3A_116 = arith.constant 0 : i32
      %dma_wait3A_117 = tpu.memref_slice %arg6[%dma_wait3A_115, %dma_wait3A_116] : memref<10240x16xf32, #tpu.memory_space<vmem_shared>> -> memref<10240x16xf32, #tpu.memory_space<vmem_shared>>
      tpu.wait_indirect_dma semaphore(%arg9 : memref<!tpu.dma_semaphore, #tpu.memory_space<semaphore_mem>>) src(%arg8 : memref<128x16xf32, #tpu.memory_space<vmem>>) dst(%dma_wait3A_117 : memref<10240x16xf32, #tpu.memory_space<vmem_shared>>)
      %dma_wait3A_118 = arith.constant 0 : i32
      %dma_wait3A_119 = arith.constant 0 : i32
      %dma_wait3A_120 = tpu.memref_slice %arg7[%dma_wait3A_118, %dma_wait3A_119] : memref<80x128xi32, #tpu.memory_space<vmem>> -> memref<1x128xi32, #tpu.memory_space<vmem>>
      %dma_wait3A_121 = tpu.memref_squeeze %dma_wait3A_120 : memref<1x128xi32, #tpu.memory_space<vmem>> -> memref<128xi32, #tpu.memory_space<vmem>>
      %dma_wait3A_122 = arith.constant 0 : i32
      %dma_wait3A_123 = arith.constant 0 : i32
      %dma_wait3A_124 = tpu.memref_slice %arg6[%dma_wait3A_122, %dma_wait3A_123] : memref<10240x16xf32, #tpu.memory_space<vmem_shared>> -> memref<10240x16xf32, #tpu.memory_space<vmem_shared>>
      tpu.wait_indirect_dma semaphore(%arg9 : memref<!tpu.dma_semaphore, #tpu.memory_space<semaphore_mem>>) src(%arg8 : memref<128x16xf32, #tpu.memory_space<vmem>>) dst(%dma_wait3A_124 : memref<10240x16xf32, #tpu.memory_space<vmem_shared>>)
      %dma_wait3A_125 = arith.constant 0 : i32
      %dma_wait3A_126 = arith.constant 0 : i32
      %dma_wait3A_127 = tpu.memref_slice %arg7[%dma_wait3A_125, %dma_wait3A_126] : memref<80x128xi32, #tpu.memory_space<vmem>> -> memref<1x128xi32, #tpu.memory_space<vmem>>
      %dma_wait3A_128 = tpu.memref_squeeze %dma_wait3A_127 : memref<1x128xi32, #tpu.memory_space<vmem>> -> memref<128xi32, #tpu.memory_space<vmem>>
      %dma_wait3A_129 = arith.constant 0 : i32
      %dma_wait3A_130 = arith.constant 0 : i32
      %dma_wait3A_131 = tpu.memref_slice %arg6[%dma_wait3A_129, %dma_wait3A_130] : memref<10240x16xf32, #tpu.memory_space<vmem_shared>> -> memref<10240x16xf32, #tpu.memory_space<vmem_shared>>
      tpu.wait_indirect_dma semaphore(%arg9 : memref<!tpu.dma_semaphore, #tpu.memory_space<semaphore_mem>>) src(%arg8 : memref<128x16xf32, #tpu.memory_space<vmem>>) dst(%dma_wait3A_131 : memref<10240x16xf32, #tpu.memory_space<vmem_shared>>)
      %dma_wait3A_132 = arith.constant 0 : i32
      %dma_wait3A_133 = arith.constant 0 : i32
      %dma_wait3A_134 = tpu.memref_slice %arg7[%dma_wait3A_132, %dma_wait3A_133] : memref<80x128xi32, #tpu.memory_space<vmem>> -> memref<1x128xi32, #tpu.memory_space<vmem>>
      %dma_wait3A_135 = tpu.memref_squeeze %dma_wait3A_134 : memref<1x128xi32, #tpu.memory_space<vmem>> -> memref<128xi32, #tpu.memory_space<vmem>>
      %dma_wait3A_136 = arith.constant 0 : i32
      %dma_wait3A_137 = arith.constant 0 : i32
      %dma_wait3A_138 = tpu.memref_slice %arg6[%dma_wait3A_136, %dma_wait3A_137] : memref<10240x16xf32, #tpu.memory_space<vmem_shared>> -> memref<10240x16xf32, #tpu.memory_space<vmem_shared>>
      tpu.wait_indirect_dma semaphore(%arg9 : memref<!tpu.dma_semaphore, #tpu.memory_space<semaphore_mem>>) src(%arg8 : memref<128x16xf32, #tpu.memory_space<vmem>>) dst(%dma_wait3A_138 : memref<10240x16xf32, #tpu.memory_space<vmem_shared>>)
      %dma_wait3A_139 = arith.constant 0 : i32
      %dma_wait3A_140 = arith.constant 0 : i32
      %dma_wait3A_141 = tpu.memref_slice %arg7[%dma_wait3A_139, %dma_wait3A_140] : memref<80x128xi32, #tpu.memory_space<vmem>> -> memref<1x128xi32, #tpu.memory_space<vmem>>
      %dma_wait3A_142 = tpu.memref_squeeze %dma_wait3A_141 : memref<1x128xi32, #tpu.memory_space<vmem>> -> memref<128xi32, #tpu.memory_space<vmem>>
      %dma_wait3A_143 = arith.constant 0 : i32
      %dma_wait3A_144 = arith.constant 0 : i32
      %dma_wait3A_145 = tpu.memref_slice %arg6[%dma_wait3A_143, %dma_wait3A_144] : memref<10240x16xf32, #tpu.memory_space<vmem_shared>> -> memref<10240x16xf32, #tpu.memory_space<vmem_shared>>
      tpu.wait_indirect_dma semaphore(%arg9 : memref<!tpu.dma_semaphore, #tpu.memory_space<semaphore_mem>>) src(%arg8 : memref<128x16xf32, #tpu.memory_space<vmem>>) dst(%dma_wait3A_145 : memref<10240x16xf32, #tpu.memory_space<vmem_shared>>)
    }
    %scan3A_9 = arith.constant 10 : i32
    %barrier3A_10 = arith.constant 0 : index
    tpu.barrier barrier_id(%barrier3A_10)
    "tpu.region"() ({
      %run_scoped3A_11 = tpu.sem_alloc : memref<!tpu.dma_semaphore, #tpu.memory_space<semaphore_mem>>
      %dma_start3A = arith.constant 0 : i32
      %dma_start3A_12 = tpu.memref_slice %arg5[%arg0, %mul3A_0, %dma_start3A] : memref<2x10240x16xf32, #tpu.memory_space<hbm>> -> memref<1x640x16xf32, #tpu.memory_space<hbm>>
      %dma_start3A_13 = tpu.memref_squeeze %dma_start3A_12 : memref<1x640x16xf32, #tpu.memory_space<hbm>> -> memref<640x16xf32, #tpu.memory_space<hbm>>
      %dma_start3A_14 = arith.constant 0 : i32
      %dma_start3A_15 = tpu.memref_slice %arg6[%mul3A_0, %dma_start3A_14] : memref<10240x16xf32, #tpu.memory_space<vmem_shared>> -> memref<640x16xf32, #tpu.memory_space<vmem_shared>>
      tpu.enqueue_dma source(%dma_start3A_15 : memref<640x16xf32, #tpu.memory_space<vmem_shared>>) target(%dma_start3A_13 : memref<640x16xf32, #tpu.memory_space<hbm>>) target_semaphore(%run_scoped3A_11 : memref<!tpu.dma_semaphore, #tpu.memory_space<semaphore_mem>>)
      %dma_wait3A = arith.constant 0 : i32
      %dma_wait3A_16 = tpu.memref_slice %arg5[%arg0, %mul3A_0, %dma_wait3A] : memref<2x10240x16xf32, #tpu.memory_space<hbm>> -> memref<1x640x16xf32, #tpu.memory_space<hbm>>
      %dma_wait3A_17 = tpu.memref_squeeze %dma_wait3A_16 : memref<1x640x16xf32, #tpu.memory_space<hbm>> -> memref<640x16xf32, #tpu.memory_space<hbm>>
      %dma_wait3A_18 = arith.constant 0 : i32
      %dma_wait3A_19 = tpu.memref_slice %arg6[%mul3A_0, %dma_wait3A_18] : memref<10240x16xf32, #tpu.memory_space<vmem_shared>> -> memref<640x16xf32, #tpu.memory_space<vmem_shared>>
      tpu.wait_dma2 semaphore(%run_scoped3A_11 : memref<!tpu.dma_semaphore, #tpu.memory_space<semaphore_mem>>) src(%dma_wait3A_19 : memref<640x16xf32, #tpu.memory_space<vmem_shared>>) dst(%dma_wait3A_17 : memref<640x16xf32, #tpu.memory_space<hbm>>)
      tpu.yield
    }) : () -> ()
    return
  }
}

module attributes {stable_mosaic.version = 14 : i64} {
  func.func @_tc_scale_in(%arg0: i32, %arg1: memref<1280x128xf32, #tpu.memory_space<vmem>>, %arg2: memref<128x128xf32, #tpu.memory_space<vmem>>, %arg3: memref<2x1280x16xf32, #tpu.memory_space<vmem>>, %arg4: memref<2x1280x64xbf16, #tpu.memory_space<vmem>>, %arg5: memref<1280x8xf32, #tpu.memory_space<vmem>>) attributes {dimension_semantics = [#tpu.dimension_semantics<arbitrary>], iteration_bounds = array<i64: 8>, scalar_prefetch = 0 : i64, scratch_operands = 0 : i64, tpu.core_type = #tpu.core_type<tc>, window_params = [{transform_indices = @transform_0, window_bounds = array<i64: 1280, 128>}, {pipeline_mode = #tpu.pipeline_mode<synchronous>, transform_indices = @transform_1, window_bounds = array<i64: 128, 128>}, {transform_indices = @transform_2, window_bounds = array<i64: 2, 1280, 16>}, {transform_indices = @transform_3, window_bounds = array<i64: 2, 1280, 64>}, {transform_indices = @transform_4, window_bounds = array<i64: 1280, 8>}]} {
    %get3A = arith.constant 0 : index
    %get3A_0 = arith.constant 0 : index
    %get3A_1 = arith.constant 0 : index
    %get3A_2 = vector.load %arg3[%get3A, %get3A_0, %get3A_1] : memref<2x1280x16xf32, #tpu.memory_space<vmem>>, vector<1x1280x1xf32>
    %get3A_3 = vector.shape_cast %get3A_2 : vector<1x1280x1xf32> to vector<1280x1xf32>
    %get3A_4 = arith.constant 1 : index
    %get3A_5 = arith.constant 0 : index
    %get3A_6 = arith.constant 0 : index
    %get3A_7 = vector.load %arg3[%get3A_4, %get3A_5, %get3A_6] : memref<2x1280x16xf32, #tpu.memory_space<vmem>>, vector<1x1280x1xf32>
    %get3A_8 = vector.shape_cast %get3A_7 : vector<1x1280x1xf32> to vector<1280x1xf32>
    %add3A = arith.addf %get3A_3, %get3A_8 : vector<1280x1xf32>
    %rsqrt3A = math.rsqrt %add3A : vector<1280x1xf32>
    %get3A_9 = arith.constant 0 : index
    %get3A_10 = arith.constant 0 : index
    %get3A_11 = vector.load %arg1[%get3A_9, %get3A_10] : memref<1280x128xf32, #tpu.memory_space<vmem>>, vector<1280x128xf32>
    %get3A_12 = arith.constant 0 : index
    %get3A_13 = arith.constant 0 : index
    %get3A_14 = vector.load %arg2[%get3A_12, %get3A_13] : memref<128x128xf32, #tpu.memory_space<vmem>>, vector<128x128xf32>
    %dot_general3A = arith.constant dense<0.000000e+00> : vector<1280x128xf32>
    %dot_general3A_15 = tpu.matmul %get3A_11, %get3A_14, %dot_general3A {dimension_numbers = #tpu.dot_dimension_numbers<[1], [0], [0], [1], [0, 0, 1, 1], [], []>, precision = #tpu.contract_precision<fp32>, transpose_lhs_hint = false} : vector<1280x128xf32>, vector<128x128xf32>, vector<1280x128xf32> -> vector<1280x128xf32>
    %mul3A = vector.broadcast %rsqrt3A : vector<1280x1xf32> to vector<1280x128xf32>
    %mul3A_16 = arith.mulf %dot_general3A_15, %mul3A : vector<1280x128xf32>
    %slice3A = vector.extract_strided_slice %mul3A_16 {offsets = [0, 0], sizes = [1280, 64], strides = [1, 1]} : vector<1280x128xf32> to vector<1280x64xf32>
    %convert_element_type3A = arith.truncf %slice3A : vector<1280x64xf32> to vector<1280x64xbf16>
    %swap3A = arith.constant 0 : index
    %swap3A_17 = arith.constant 0 : index
    %swap3A_18 = arith.constant 0 : index
    %swap3A_19 = vector.load %arg4[%swap3A, %swap3A_17, %swap3A_18] : memref<2x1280x64xbf16, #tpu.memory_space<vmem>>, vector<1x1280x64xbf16>
    %swap3A_20 = vector.shape_cast %swap3A_19 : vector<1x1280x64xbf16> to vector<1280x64xbf16>
    %swap3A_21 = vector.shape_cast %convert_element_type3A : vector<1280x64xbf16> to vector<1x1280x64xbf16>
    tpu.vector_store %arg4[%swap3A, %swap3A_17, %swap3A_18], %swap3A_21 {strides = array<i32>} : memref<2x1280x64xbf16, #tpu.memory_space<vmem>>, vector<1x1280x64xbf16>,
    %slice3A_22 = vector.extract_strided_slice %mul3A_16 {offsets = [0, 64], sizes = [1280, 64], strides = [1, 1]} : vector<1280x128xf32> to vector<1280x64xf32>
    %convert_element_type3A_23 = arith.truncf %slice3A_22 : vector<1280x64xf32> to vector<1280x64xbf16>
    %swap3A_24 = arith.constant 1 : index
    %swap3A_25 = arith.constant 0 : index
    %swap3A_26 = arith.constant 0 : index
    %swap3A_27 = vector.load %arg4[%swap3A_24, %swap3A_25, %swap3A_26] : memref<2x1280x64xbf16, #tpu.memory_space<vmem>>, vector<1x1280x64xbf16>
    %swap3A_28 = vector.shape_cast %swap3A_27 : vector<1x1280x64xbf16> to vector<1280x64xbf16>
    %swap3A_29 = vector.shape_cast %convert_element_type3A_23 : vector<1280x64xbf16> to vector<1x1280x64xbf16>
    tpu.vector_store %arg4[%swap3A_24, %swap3A_25, %swap3A_26], %swap3A_29 {strides = array<i32>} : memref<2x1280x64xbf16, #tpu.memory_space<vmem>>, vector<1x1280x64xbf16>,
    %broadcast_in_dim3A = vector.shape_cast %rsqrt3A : vector<1280x1xf32> to vector<1280x1xf32>
    %broadcast_in_dim3A_30 = vector.broadcast %broadcast_in_dim3A : vector<1280x1xf32> to vector<1280x8xf32>
    %swap3A_31 = arith.constant 0 : index
    %swap3A_32 = arith.constant 0 : index
    %swap3A_33 = vector.load %arg5[%swap3A_31, %swap3A_32] : memref<1280x8xf32, #tpu.memory_space<vmem>>, vector<1280x8xf32>
    tpu.vector_store %arg5[%swap3A_31, %swap3A_32], %broadcast_in_dim3A_30 {strides = array<i32>} : memref<1280x8xf32, #tpu.memory_space<vmem>>, vector<1280x8xf32>,
    return
  }
  func.func @transform_0(%arg0: i32) -> (i32, i32) {
    %c0_i32 = arith.constant 0 : i32
    %c0_i32_0 = arith.constant 0 : i32
    return %arg0, %c0_i32 : i32, i32
  }
  func.func @transform_1(%arg0: i32) -> (i32, i32) {
    %c0_i32 = arith.constant 0 : i32
    %c0_i32_0 = arith.constant 0 : i32
    %c0_i32_1 = arith.constant 0 : i32
    return %c0_i32, %c0_i32_0 : i32, i32
  }
  func.func @transform_2(%arg0: i32) -> (i32, i32, i32) {
    %c0_i32 = arith.constant 0 : i32
    %c0_i32_0 = arith.constant 0 : i32
    %c0_i32_1 = arith.constant 0 : i32
    return %c0_i32, %arg0, %c0_i32_0 : i32, i32, i32
  }
  func.func @transform_3(%arg0: i32) -> (i32, i32, i32) {
    %c0_i32 = arith.constant 0 : i32
    %c0_i32_0 = arith.constant 0 : i32
    %c0_i32_1 = arith.constant 0 : i32
    return %c0_i32, %arg0, %c0_i32_0 : i32, i32, i32
  }
  func.func @transform_4(%arg0: i32) -> (i32, i32) {
    %c0_i32 = arith.constant 0 : i32
    %c0_i32_0 = arith.constant 0 : i32
    return %arg0, %c0_i32 : i32, i32
  }
}

module attributes {stable_mosaic.version = 14 : i64} {
  func.func @_tc_mid(%arg0: i32, %arg1: memref<2x1280x64xbf16, #tpu.memory_space<vmem>>, %arg2: memref<1280x8xf32, #tpu.memory_space<vmem>>, %arg3: memref<1x128xf32, #tpu.memory_space<vmem>>, %arg4: memref<128x16xf32, #tpu.memory_space<vmem>>, %arg5: memref<1280x16xf32, #tpu.memory_space<vmem>>) attributes {dimension_semantics = [#tpu.dimension_semantics<arbitrary>], iteration_bounds = array<i64: 8>, scalar_prefetch = 0 : i64, scratch_operands = 0 : i64, tpu.core_type = #tpu.core_type<tc>, window_params = [{transform_indices = @transform_0, window_bounds = array<i64: 2, 1280, 64>}, {transform_indices = @transform_1, window_bounds = array<i64: 1280, 8>}, {pipeline_mode = #tpu.pipeline_mode<synchronous>, transform_indices = @transform_2, window_bounds = array<i64: 1, 128>}, {pipeline_mode = #tpu.pipeline_mode<synchronous>, transform_indices = @transform_3, window_bounds = array<i64: 128, 16>}, {transform_indices = @transform_4, window_bounds = array<i64: 1280, 16>}]} {
    %get3A = arith.constant 0 : index
    %get3A_0 = arith.constant 0 : index
    %get3A_1 = vector.load %arg2[%get3A, %get3A_0] : memref<1280x8xf32, #tpu.memory_space<vmem>>, vector<1280x1xf32>
    %get3A_2 = arith.constant 0 : index
    %get3A_3 = arith.constant 0 : index
    %get3A_4 = arith.constant 0 : index
    %get3A_5 = vector.load %arg1[%get3A_2, %get3A_3, %get3A_4] : memref<2x1280x64xbf16, #tpu.memory_space<vmem>>, vector<1x1280x64xbf16>
    %get3A_6 = vector.shape_cast %get3A_5 : vector<1x1280x64xbf16> to vector<1280x64xbf16>
    %get3A_7 = arith.constant 1 : index
    %get3A_8 = arith.constant 0 : index
    %get3A_9 = arith.constant 0 : index
    %get3A_10 = vector.load %arg1[%get3A_7, %get3A_8, %get3A_9] : memref<2x1280x64xbf16, #tpu.memory_space<vmem>>, vector<1x1280x64xbf16>
    %get3A_11 = vector.shape_cast %get3A_10 : vector<1x1280x64xbf16> to vector<1280x64xbf16>
    %concatenate3A = tpu.concatenate %get3A_6, %get3A_11 in 1 : vector<1280x64xbf16>, vector<1280x64xbf16> -> vector<1280x128xbf16>
    %convert_element_type3A = arith.extf %concatenate3A : vector<1280x128xbf16> to vector<1280x128xf32>
    %mul3A = vector.broadcast %get3A_1 : vector<1280x1xf32> to vector<1280x128xf32>
    %mul3A_12 = arith.mulf %convert_element_type3A, %mul3A : vector<1280x128xf32>
    %get3A_13 = arith.constant 0 : index
    %get3A_14 = arith.constant 0 : index
    %get3A_15 = vector.load %arg3[%get3A_13, %get3A_14] : memref<1x128xf32, #tpu.memory_space<vmem>>, vector<1x128xf32>
    %add3A = vector.broadcast %get3A_15 : vector<1x128xf32> to vector<1280x128xf32>
    %add3A_16 = arith.addf %mul3A_12, %add3A : vector<1280x128xf32>
    %max3A = arith.constant 0.000000e+00 : f32
    %max3A_17 = vector.broadcast %max3A : f32 to vector<1280x128xf32>
    %max3A_18 = arith.maximumf %add3A_16, %max3A_17 : vector<1280x128xf32>
    %mul3A_19 = vector.broadcast %get3A_1 : vector<1280x1xf32> to vector<1280x128xf32>
    %mul3A_20 = arith.mulf %max3A_18, %mul3A_19 : vector<1280x128xf32>
    %get3A_21 = arith.constant 0 : index
    %get3A_22 = arith.constant 0 : index
    %get3A_23 = vector.load %arg4[%get3A_21, %get3A_22] : memref<128x16xf32, #tpu.memory_space<vmem>>, vector<128x16xf32>
    %dot_general3A = arith.constant dense<0.000000e+00> : vector<1280x16xf32>
    %dot_general3A_24 = tpu.matmul %mul3A_20, %get3A_23, %dot_general3A {dimension_numbers = #tpu.dot_dimension_numbers<[1], [0], [0], [1], [0, 0, 1, 1], [], []>, precision = #tpu.contract_precision<fp32>, transpose_lhs_hint = false} : vector<1280x128xf32>, vector<128x16xf32>, vector<1280x16xf32> -> vector<1280x16xf32>
    %swap3A = arith.constant 0 : index
    %swap3A_25 = arith.constant 0 : index
    %swap3A_26 = vector.load %arg5[%swap3A, %swap3A_25] : memref<1280x16xf32, #tpu.memory_space<vmem>>, vector<1280x16xf32>
    tpu.vector_store %arg5[%swap3A, %swap3A_25], %dot_general3A_24 {strides = array<i32>} : memref<1280x16xf32, #tpu.memory_space<vmem>>, vector<1280x16xf32>,
    return
  }
  func.func @transform_0(%arg0: i32) -> (i32, i32, i32) {
    %c0_i32 = arith.constant 0 : i32
    %c0_i32_0 = arith.constant 0 : i32
    %c0_i32_1 = arith.constant 0 : i32
    return %c0_i32, %arg0, %c0_i32_0 : i32, i32, i32
  }
  func.func @transform_1(%arg0: i32) -> (i32, i32) {
    %c0_i32 = arith.constant 0 : i32
    %c0_i32_0 = arith.constant 0 : i32
    return %arg0, %c0_i32 : i32, i32
  }
  func.func @transform_2(%arg0: i32) -> (i32, i32) {
    %c0_i32 = arith.constant 0 : i32
    %c0_i32_0 = arith.constant 0 : i32
    %c0_i32_1 = arith.constant 0 : i32
    return %c0_i32, %c0_i32_0 : i32, i32
  }
  func.func @transform_3(%arg0: i32) -> (i32, i32) {
    %c0_i32 = arith.constant 0 : i32
    %c0_i32_0 = arith.constant 0 : i32
    %c0_i32_1 = arith.constant 0 : i32
    return %c0_i32, %c0_i32_0 : i32, i32
  }
  func.func @transform_4(%arg0: i32) -> (i32, i32) {
    %c0_i32 = arith.constant 0 : i32
    %c0_i32_0 = arith.constant 0 : i32
    return %arg0, %c0_i32 : i32, i32
  }
}

module attributes {stable_mosaic.version = 14 : i64} {
  func.func @_tc_combine_pool(%arg0: memref<2x10240x16xf32, #tpu.memory_space<vmem>>, %arg1: memref<10240x16xf32, #tpu.memory_space<vmem>>, %arg2: memref<10240x8xf32, #tpu.memory_space<vmem>>, %arg3: memref<1x16xf32, #tpu.memory_space<vmem>>, %arg4: memref<1x10000xi32, #tpu.memory_space<vmem>>, %arg5: memref<64x16xf32, #tpu.memory_space<vmem>>) attributes {dimension_semantics = [], scalar_prefetch = 0 : i64, scratch_operands = 0 : i64, tpu.core_type = #tpu.core_type<tc>} {
    %get3A = arith.constant 0 : index
    %get3A_0 = arith.constant 0 : index
    %get3A_1 = vector.load %arg2[%get3A, %get3A_0] : memref<10240x8xf32, #tpu.memory_space<vmem>>, vector<10240x1xf32>
    %get3A_2 = arith.constant 0 : index
    %get3A_3 = arith.constant 0 : index
    %get3A_4 = arith.constant 0 : index
    %get3A_5 = vector.load %arg0[%get3A_2, %get3A_3, %get3A_4] : memref<2x10240x16xf32, #tpu.memory_space<vmem>>, vector<1x10240x16xf32>
    %get3A_6 = vector.shape_cast %get3A_5 : vector<1x10240x16xf32> to vector<10240x16xf32>
    %get3A_7 = arith.constant 1 : index
    %get3A_8 = arith.constant 0 : index
    %get3A_9 = arith.constant 0 : index
    %get3A_10 = vector.load %arg0[%get3A_7, %get3A_8, %get3A_9] : memref<2x10240x16xf32, #tpu.memory_space<vmem>>, vector<1x10240x16xf32>
    %get3A_11 = vector.shape_cast %get3A_10 : vector<1x10240x16xf32> to vector<10240x16xf32>
    %add3A = arith.addf %get3A_6, %get3A_11 : vector<10240x16xf32>
    %get3A_12 = arith.constant 0 : index
    %get3A_13 = arith.constant 0 : index
    %get3A_14 = vector.load %arg1[%get3A_12, %get3A_13] : memref<10240x16xf32, #tpu.memory_space<vmem>>, vector<10240x16xf32>
    %sub3A = arith.subf %add3A, %get3A_14 : vector<10240x16xf32>
    %mul3A = vector.broadcast %get3A_1 : vector<10240x1xf32> to vector<10240x16xf32>
    %mul3A_15 = arith.mulf %sub3A, %mul3A : vector<10240x16xf32>
    %get3A_16 = arith.constant 0 : index
    %get3A_17 = arith.constant 0 : index
    %get3A_18 = vector.load %arg3[%get3A_16, %get3A_17] : memref<1x16xf32, #tpu.memory_space<vmem>>, vector<1x16xf32>
    %add3A_19 = vector.broadcast %get3A_18 : vector<1x16xf32> to vector<10240x16xf32>
    %add3A_20 = arith.addf %mul3A_15, %add3A_19 : vector<10240x16xf32>
    %slice3A = vector.extract_strided_slice %add3A_20 {offsets = [0, 0], sizes = [10000, 16], strides = [1, 1]} : vector<10240x16xf32> to vector<10000x16xf32>
    %iota3A = tpu.iota {dimensions = array<i32: 0>} : vector<64x10000xi32>
    %get3A_21 = arith.constant 0 : index
    %get3A_22 = arith.constant 0 : index
    %get3A_23 = vector.load %arg4[%get3A_21, %get3A_22] : memref<1x10000xi32, #tpu.memory_space<vmem>>, vector<1x10000xi32>
    %eq3A = vector.broadcast %get3A_23 : vector<1x10000xi32> to vector<64x10000xi32>
    %eq3A_24 = arith.cmpi eq, %iota3A, %eq3A : vector<64x10000xi32>
    %convert_element_type3A = arith.extui %eq3A_24 : vector<64x10000xi1> to vector<64x10000xi32>
    %convert_element_type3A_25 = arith.sitofp %convert_element_type3A : vector<64x10000xi32> to vector<64x10000xf32>
    %dot_general3A = arith.constant dense<0.000000e+00> : vector<64x16xf32>
    %dot_general3A_26 = tpu.matmul %convert_element_type3A_25, %slice3A, %dot_general3A {dimension_numbers = #tpu.dot_dimension_numbers<[1], [0], [0], [1], [0, 0, 1, 1], [], []>, precision = #tpu.contract_precision<fp32>, transpose_lhs_hint = false} : vector<64x10000xf32>, vector<10000x16xf32>, vector<64x16xf32> -> vector<64x16xf32>
    %swap3A = arith.constant 0 : index
    %swap3A_27 = arith.constant 0 : index
    %swap3A_28 = vector.load %arg5[%swap3A, %swap3A_27] : memref<64x16xf32, #tpu.memory_space<vmem>>, vector<64x16xf32>
    tpu.vector_store %arg5[%swap3A, %swap3A_27], %dot_general3A_26 {strides = array<i32>} : memref<64x16xf32, #tpu.memory_space<vmem>>, vector<64x16xf32>,
    return
  }
}

</mosaic_0001>

<sc_bundles>
// kernel: kernel.11.cloned.1.call-start
scs
__scs_entry_jumppad:
0x0: {  	(pc) =	sbr.rel $0x88, $3  }
0x1: {  	(tag) =	ssettag $0x0;
	lr =	simm.s32 $0x1  }
0x2: {  	[smem:$0x3F9A] =	sst lr;
	_ =	strace $0xD0000000  }
0x3: {  	_ = 	snop  }
0x4: {  	_ = 	snop  }
0x5: {  	_ = 	snop  }
0x6: {  	_ = 	snop  }
0x7: {  	_ = 	snop  }
__scs_overlays_trampoline_lowered:
0x8: {  	[smem:$0x3FA9] =	sst s0  }
0x9: {  	[smem:$0x3FAA] =	sst s1  }
0xa: {  	[smem:$0x3FAB] =	sst s2  }
0xb: {  	[smem:$0x3FAC] =	sst s3  }
0xc: {  	[smem:$0x3FAD] =	sst s4  }
0xd: {  	[smem:$0x3FAE] =	sst s5  }
0xe: {  	[smem:$0x3FAF] =	sst s6  }
0xf: {  	[smem:$0x3FB0] =	sst s7  }
0x10: {  	[smem:$0x3FB1] =	sst s8  }
0x11: {  	[smem:$0x3FB2] =	sst s9;
	s0 =	simm.s32 @!p0 $0x0  }
0x12: {  	s1 =	sld [smem:$0x3F98];
	s0 =	simm.s32 @p0 $0x1  }
0x13: {  	[smem:$0x3FB3] =	sst s0;
	s0 =	simm.s32 @!p1 $0x0  }
0x14: {  	s2 =	sld [smem:$0x3F97];
	s0 =	simm.s32 @p1 $0x1  }
0x15: {  	[smem:$0x3FB4] =	sst s0;
	s0 =	simm.s32 @!p2 $0x0  }
0x16: {  	s3 =	sld [smem:$0x3FDB];
	s0 =	simm.s32 @p2 $0x1  }
0x17: {  	s4 =	simm.s32 $0x1BF5;
	[smem:$0x3FB6] =	sst s0  }
0x18: {  	s0 =	sld [smem:$0x3F99];
	_ =	swait.ge [sflag:s4], $0x0  }
0x19: {  	s7 =	sld [smem:$0x3F9A]  }
0x1a: {  	s8 =	sadd.s32 $0xFFFFE003, lr  }
0x1b: {  	s9 =	sadd.s32 $0xFFFFFEF7, lr;
	s5 =	simm.s32 $0xFFFFFFFF;
	p2 =	slt.u32 s8, $0xFFFFF086  }
0x1c: {  	p1 =	slt.u32 s9, $0xF7A;
	s5 =	simm.s32 @!p2 $0x0  }
0x1d: {  	s5 =	simm.s32 @p1 $0x1;
	p0 =	seq.s32 s7, s2  }
0x1e: {  	s7 =	smul.u32 @!p0 $0xF7A, s2;
	p2 =	seq.s32 @!p0 s5, $0x0  }
0x1f: {  	s9 =	smul.u32 $0xF7A, s1;
	s8 =	simm.s32 @!p0 $0x1BF5;
	p2 =	por !p2, p0  }
0x20: {  	[sflag:s8] =	ssyncset.s32 @!p0 $0xFFFFF086;
	s6 =	sadd.s32 @!p0 s3, s7;
	s7 =	simm.s32 @!p0 $0x108  }
0x21: {  	s3 =	sadd.s32 s3, s9;
	s6 =	sadd.s32 @!p0 $0x88, s6;
	s7 =	simm.s32 @p2 $0x1082  }
0x22: {  	[simem:s7], [sflag:s8] =	dma.local @!p0 [hbm:s6], $0xF7A  }
0x23: {  	s9 =	sor.u32 $0xD0000000, s2;
	s6 =	simm.s32 $0x108;
	_ =	swait.ge @!p0 [sflag:s8], $0x0  }
0x24: {  	s3 =	sadd.s32 $0x88, s3;
	s6 =	simm.s32 @!p1 $0x1082;
	[sflag:s4] =	ssyncset.s32 $0xFFFFF086  }
0x25: {  	[simem:s6], [sflag:s4] =	dma.local [hbm:s3], $0xF7A  }
0x26: {  	[smem:$0x3F9A] =	sst s1;
	(tag) =	ssettag s2;
	_ =	strace s9  }
0x27: {  	s1 =	sld [smem:$0x3FAA]  }
0x28: {  	s2 =	sld [smem:$0x3FAB]  }
0x29: {  	s4 =	sld [smem:$0x3FAD]  }
0x2a: {  	p0 =	seq.s32 s5, $0x0;
	s5 =	sld [smem:$0x3FAE]  }
0x2b: {  	s6 =	sld [smem:$0x3FAF]  }
0x2c: {  	s7 =	sld [smem:$0x3FB0]  }
0x2d: {  	s3 =	simm.s32 $0x108;
	s8 =	sld [smem:$0x3FB1]  }
0x2e: {  	s3 =	simm.s32 @!p0 $0x1082;
	s9 =	sld [smem:$0x3FB2]  }
0x2f: {  	lr =	sadd.s32 s0, s3;
	s0 =	sld [smem:$0x3FA9]  }
0x30: {  	s3 =	sld [smem:$0x3FAC]  }
0x31: {  	[smem:$0x3FB5] =	sst s10  }
0x32: {  	s10 =	sld [smem:$0x3FB3];
	_ =	sdelay $0x3  }
0x33: {  	p0 =	seq.s32 s10, $0x1;
	s10 =	sld [smem:$0x3FB5];
	_ =	sdelay $0x3  }
0x34: {  	[smem:$0x3FB5] =	sst s10  }
0x35: {  	s10 =	sld [smem:$0x3FB4];
	_ =	sdelay $0x3  }
0x36: {  	p1 =	seq.s32 s10, $0x1;
	s10 =	sld [smem:$0x3FB5];
	_ =	sdelay $0x3  }
0x37: {  	[smem:$0x3FB5] =	sst s10  }
0x38: {  	s10 =	sld [smem:$0x3FB6]  }
0x39: {  	_ = 	snop;
	(pc) =	sbr.ind lr, $3  }
0x3a: {  	_ = 	snop  }
0x3b: {  	_ = 	snop  }
0x3c: {  	p2 =	seq.s32 s10, $0x1;
	s10 =	sld [smem:$0x3FB5]  }
0x3d: {  	_ =	shalt  }
0x3e: {  	_ =	shalt  }
0x3f: {  	_ =	shalt  }
0x40: {  	_ =	shalt  }
0x41: {  	_ =	shalt  }
0x42: {  	_ =	shalt  }
0x43: {  	_ =	shalt  }
0x44: {  	_ =	shalt  }
0x45: {  	_ =	shalt  }
0x46: {  	_ =	shalt  }
0x47: {  	_ =	shalt  }
0x48: {  	_ =	shalt  }
0x49: {  	_ =	shalt  }
0x4a: {  	_ =	shalt  }
0x4b: {  	_ =	shalt  }
0x4c: {  	_ =	shalt  }
0x4d: {  	_ =	shalt  }
0x4e: {  	_ =	shalt  }
0x4f: {  	_ =	shalt  }
0x50: {  	_ =	shalt  }
0x51: {  	_ =	shalt  }
0x52: {  	_ =	shalt  }
0x53: {  	_ =	shalt  }
0x54: {  	_ =	shalt  }
0x55: {  	_ =	shalt  }
0x56: {  	_ =	shalt  }
0x57: {  	_ =	shalt  }
0x58: {  	_ =	shalt  }
0x59: {  	_ =	shalt  }
0x5a: {  	_ =	shalt  }
0x5b: {  	_ =	shalt  }
0x5c: {  	_ =	shalt  }
0x5d: {  	_ =	shalt  }
0x5e: {  	_ =	shalt  }
0x5f: {  	_ =	shalt  }
0x60: {  	_ =	shalt  }
0x61: {  	_ =	shalt  }
0x62: {  	_ =	shalt  }
0x63: {  	_ =	shalt  }
0x64: {  	_ =	shalt  }
0x65: {  	_ =	shalt  }
0x66: {  	_ =	shalt  }
0x67: {  	_ =	shalt  }
0x68: {  	_ =	shalt  }
0x69: {  	_ =	shalt  }
0x6a: {  	_ =	shalt  }
0x6b: {  	_ =	shalt  }
0x6c: {  	_ =	shalt  }
0x6d: {  	_ =	shalt  }
0x6e: {  	_ =	shalt  }
0x6f: {  	_ =	shalt  }
0x70: {  	_ =	shalt  }
0x71: {  	_ =	shalt  }
0x72: {  	_ =	shalt  }
0x73: {  	_ =	shalt  }
0x74: {  	_ =	shalt  }
0x75: {  	_ =	shalt  }
0x76: {  	_ =	shalt  }
0x77: {  	_ =	shalt  }
0x78: {  	_ =	shalt  }
0x79: {  	_ =	shalt  }
0x7a: {  	_ =	shalt  }
0x7b: {  	_ =	shalt  }
0x7c: {  	_ =	shalt  }
0x7d: {  	_ =	shalt  }
0x7e: {  	_ =	shalt  }
0x7f: {  	_ =	shalt  }
0x80: {  	_ =	shalt  }
0x81: {  	_ =	shalt  }
0x82: {  	_ =	shalt  }
0x83: {  	_ =	shalt  }
0x84: {  	_ =	shalt  }
0x85: {  	_ =	shalt  }
0x86: {  	_ =	shalt  }
0x87: {  	_ =	shalt  }
.Lfunc_end0:
.L_simem_size_0:
called_computation.1_lowered:
.L_overlay_start_0:
0x88: {  	s2 =	sld [smem:$0x3FD9]  }
0x89: {  	s3 =	sld [smem:$0x3FFE];
	_ =	sdelay $0x1  }
0x8a: {  	s1 =	srdreg.scid  }
0x8b: {  	s0 =	sand.u32 $0x1, s1  }
0x8c: {  	s16 =	sshll.u32 s0, $0xA;
	s2 =	sadd.s32 s3, s2  }
0x8d: {  	s2 =	sadd.s32 s2, s16  }
0x8e: {  	[smem:$0x3FC1] =	sst s2  }
0x8f: {  	_ = 	snop  }
0x90: {  	(tm) =	ssettm $0x1  }
0x91: {  	s17 =	sld [smem:$0x3FFB];
	_ =	sdelay $0x3  }
0x92: {  	_ =	strace s17  }
0x93: {  	s2 =	sld [smem:$0x3FFC];
	_ =	sdelay $0x3  }
0x94: {  	_ =	strace s2  }
0x95: {  	s2 =	sld [smem:$0x3FFD];
	_ =	sdelay $0x3  }
0x96: {  	_ =	strace s2  }
0x97: {  	_ =	strace $0x8FFFFFFF  }
0x98: {  	s18 =	sld [smem:$0x3FDB];
	_ =	sdelay $0x1  }
0x99: {  	s19 =	simm.s32 $_scs_section_size  }
0x9a: {  	s4 =	simm.s32 $_size__tile_overlayer_lowered;
	s5 =	simm.s32 $_tile_overlayer_lowered  }
0x9b: {  	s22 =	simm.s32 $0x1BFF;
	s21 =	sshll.u32 s5, $0x1;
	s2 =	sadd.s32 s19, s18  }
0x9c: {  	s6 =	simm.s32 $0x0;
	s20 =	sshll.u32 s4, $0x1;
	s4 =	sadd.s32 s21, s2  }
0x9d: {  	[timem:s6], [sflag:s22] =	dma.local [hbm:s4], s20  }
0x9e: {  	_ =	swait.ge [sflag:s22], s20  }
0x9f: {  	s3 =	ssub.s32 $0x0, s20;
	[sflag:s22] =	ssyncset.done $0x0  }
0xa0: {  	[sflag:s22] =	ssyncadd.s32 s3;
	_ =	sdelay $0x1  }
0xa1: {  	s23 =	simm.s32 $0x1B8B  }
0xa2: {  	_ =	swait.ge [sflag:s23], $0x1  }
0xa3: {  	[sflag:s23] =	ssyncset.done $0x0  }
0xa4: {  	s25 =	simm.s32 $0x1B8E;
	s24 =	sld [smem:$0x3FFE];
	[sflag:s23] =	ssyncadd.s32 $0xFFFFFFFF  }
0xa5: {  	s26 =	simm.s32 $execute0_lowered;
	[smem:$0x3FD2] =	sst s25  }
0xa6: {  	s4 =	sshll.u32 s26, $0x1;
	_ =	strace $0x80000049;
	[dreg:$0x1] =	wrdreg $0xFFFFFFFF  }
0xa7: {  	s28 =	simm.s32 $_size_execute0_lowered;
	s2 =	sadd.s32 s2, s4;
	[dreg:$0x0] =	wrdreg $0x0  }
0xa8: {  	s4 =	sshll.u32 s28, $0x1;
	[dreg:$0x2] =	wrdreg s2  }
0xa9: {  	[dreg:$0x3] =	wrdreg s4  }
0xaa: {  	[dreg:$0x4] =	wrdreg $0xC0  }
0xab: {  	_ =	task [dreg:s6], $0x5FFFF  }
0xac: {  	[dreg:$0x1] =	wrdreg $0xFFFFFFFF  }
0xad: {  	[dreg:$0x0] =	wrdreg $0x60  }
0xae: {  	[dreg:$0x2] =	wrdreg s24  }
0xaf: {  	[dreg:$0x3] =	wrdreg $0x0  }
0xb0: {  	[dreg:$0x4] =	wrdreg $0x9  }
0xb1: {  	_ =	task.clear_ibuf [dreg:s6], $0x5FFFF;
	_ =	strace $0x90000049  }
0xb2: {  	s29 =	simm.s32 $0x9;
	_ =	strace $0x8000004B  }
0xb3: {  	_ =	swait.ge [sflag:s29], $0x1  }
0xb4: {  	[sflag:s29] =	ssyncadd.s32 $0xFFFFFFFF  }
0xb5: {  	_ =	strace $0x9000004B  }
0xb6: {  	_ =	sfence  }
0xb7: {  	s30 =	sld [smem:$0x0];
	_ =	sdelay $0x2  }
0xb8: {  	s31 =	sshll.u32 s1, $0xD;
	s1 =	sshrl.u32 s1, $0x2  }
0xb9: {  	s3 =	sand.u32 $0x4000, s31;
	s1 =	sadd.s32 s1, s30  }
0xba: {  	s0 =	sor.u32 s3, s0;
	s1 =	sshll.u32 s1, $0x11  }
0xbb: {  	s0 =	sor.u32 s1, s0  }
0xbc: {  	s0 =	sadd.s32 $0x8F2B, s0  }
0xbd: {  	[sflag:s0] =	ssyncadd.remote.s32 $0x1  }
0xbe: {  	_ =	sfence.sel $0xFFFF  }
0xbf: {  	[dreg:$0x0] =	wrdreg $0xFFFFFFFF;
	(pc) =	sbr.abs _section_cstart, $3  }
0xc0: {  	[dreg:$0x1] =	wrdreg $0xFFFFFFFF  }
0xc1: {  	_ =	task.clear_ibuf [dreg:s6], $0x2FFFF;
	_ =	strace $0x9FFFFFFF  }
0xc2: {  	(tm) =	ssettm $0x7FFFFFFF  }
0xc3: {  	_ =	shalt  }
tec
execute0_lowered:
.L_overlay_start_1:
0x0: {  	(tag) =	ssettag $0x1  }
0x1: {  	s5 =	rddreg [dreg:$0x0]  }
0x2: {  	s1 =	rddreg [dreg:$0x1]  }
0x3: {  	s2 =	srdreg.scid;
	s0 =	rddreg [dreg:$0x2]  }
0x4: {  	s3 =	simm.s32 $0x0;
	s15 =	simm.s32 $0x80;
	s16 =	simm.s32 $0xF000  }
0x5: {  	s17 =	simm.s32 $0x10000;
	s18 =	simm.s32 $0x1;
	s19 =	simm.s32 $0x2  }
0x6: {  	s20 =	simm.s32 $0x9F80;
	s21 =	simm.s32 $0xEF00;
	s4 =	sand.u32 $0x1, s2  }
0x7: {  	s22 =	simm.s32 $0xEF80;
	s2 =	stileid.u32;
	s6 =	smul.u32 $0xA0000, s4  }
0x8: {  	s23 =	simm.s32 $0x0;
	[smem:$0x7FF] =	sst s3;
	s7 =	smul.u32 $0xA000, s2  }
0x9: {  	s13 =	sadd.s32 $0xC200, s5;
	s10 =	smul.u32 $0xA00, s2;
	s4 =	ssub.s32 $0x2, s4  }
0xa: {  	_ =	strace $0x8000004A;
	s31 =	sshll.u32 s2, $0x6;
	s11 =	sshrl.u32 s4, $0x1  }
0xb: {  	s8 =	sshrl.u32 s6, $0x4;
	s6 =	sadd.s32 s7, s6;
	s9 =	sadd.s32 s10, s5  }
0xc: {  	s11 =	ssub.s32 s4, s11;
	s12 =	sshrl.u32 s7, $0x1;
	s30 =	sshrl.u32 s7, $0x4  }
0xd: {  	s10 =	sadd.s32 s10, s13;
	s13 =	sor.u32 $0x1C03, s31;
	s8 =	sadd.s32 s8, s5  }
0xe: {  	s6 =	sshrl.u32 s6, $0x4;
	s4 =	sadd.s32 $0x2200, s9;
	s14 =	sadd.s32 s12, s1  }
0xf: {  	s7 =	smax.u32 s11, $0x1;
	s9 =	simm.s32 $0x3;
	s11 =	simm.s32 $0xA000  }
0x10: {  	s6 =	sadd.s32 s6, s5;
	s5 =	sadd.s32 $0x16200, s8;
	s8 =	simm.s32 $0x5000  }
0x11: {  	s14 =	sshrl.u32 s14, $0x3;
	s6 =	sadd.s32 $0x2A200, s6;
	s12 =	sadd.s32 s30, s5  }
.LBB2_1:
0x12: {  	[tilespmem:s8], [sflag:$0x3] =	stream.linear.gather [hbm4b:s4+s3], $0x5000, $0x38;
	[tilespmem:$0x11000] =	vst v63  }
0x13: {  	_ =	swait.ge [sflag:s9], $0x5000  }
0x14: {  	[sflag:s9] =	ssyncset.done $0x0  }
0x15: {  	[sflag:s9] =	ssyncadd.s32 $0xFFFFB000  }
0x16: {  	[tilespmem:s11], [sflag:$0x3] =	stream.linear.gather [hbm4b:s10+s3], $0x5000, $0x38;
	[tilespmem:$0x11000] =	vst v63  }
0x17: {  	_ =	swait.ge [sflag:s9], $0x5000  }
0x18: {  	[sflag:s9] =	ssyncset.done $0x0  }
0x19: {  	[sflag:s9] =	ssyncadd.s32 $0xFFFFB000  }
0x1a: {  	[spmem:s14], [sflag:s13] =	dma.local [hbm:s12], $0xA00  }
0x1b: {  	_ =	swait.ge [sflag:s9], $0xA00  }
0x1c: {  	[sflag:s9] =	ssyncset.done $0x0  }
0x1d: {  	[sflag:s9] =	ssyncadd.s32 $0xFFFFF600  }
0x1e: {  	[bflag:$0x0] =	sbarrier.arrive $0xFFFF  }
0x1f: {  	[tilespmem:s16], [sflag:$0x1] =	stream.indirect.gather [hbm4b:s5+s15], $0x20, s8, s15, $0xb8;
	[tilespmem:$0x11000] =	vst v63  }
0x20: {  	s24 =	simm.s32 $0x5080  }
0x21: {  	[tilespmem:s17], [sflag:$0x2] =	stream.indirect.gather [hbm4b:s5+s15], $0x20, s24, s15, $0xb8;
	[tilespmem:$0x11000] =	vst v63  }
0x22: {  	_ =	swait.ge [sflag:s18], $0x1000  }
0x23: {  	[sflag:s18] =	ssyncset.done $0x0  }
0x24: {  	s29 =	simm.s32 $0xA000;
	[sflag:s18] =	ssyncadd.s32 $0xFFFFF000  }
0x25: {  	[spmem:s1] =	stream.indirect.scatter.add.bf16 [tilespmem:s16], [sflag:$0x3], $0x20, s29, s15, $0xb8;
	[tilespmem:$0x11000] =	vst v63  }
0x26: {  	_ =	swait.ge [sflag:s9], $0x1000  }
0x27: {  	[sflag:s9] =	ssyncset.done $0x0  }
0x28: {  	s30 =	simm.s32 $0x5100;
	[sflag:s9] =	ssyncadd.s32 $0xFFFFF000  }
0x29: {  	[tilespmem:s16], [sflag:$0x1] =	stream.indirect.gather [hbm4b:s5+s15], $0x20, s30, s15, $0xb8;
	[tilespmem:$0x11000] =	vst v63  }
0x2a: {  	_ =	swait.ge [sflag:s19], $0x1000  }
0x2b: {  	[sflag:s19] =	ssyncset.done $0x0  }
0x2c: {  	s31 =	simm.s32 $0xA080;
	[sflag:s19] =	ssyncadd.s32 $0xFFFFF000  }
0x2d: {  	[spmem:s1] =	stream.indirect.scatter.add.bf16 [tilespmem:s17], [sflag:$0x3], $0x20, s31, s15, $0xb8;
	[tilespmem:$0x11000] =	vst v63  }
0x2e: {  	_ =	swait.ge [sflag:s9], $0x1000  }
0x2f: {  	s25 =	simm.s32 $0x800;
	s24 =	simm.s32 $0x100;
	[sflag:s9] =	ssyncset.done $0x0  }
.LBB2_2:
0x30: {  	s26 =	sadd.s32 $0x5080, s24  }
0x31: {  	[sflag:s9] =	ssyncadd.s32 $0xFFFFF000;
	s28 =	smov.u32 s25;
	s29 =	sadd.s32 $0x400, s25  }
0x32: {  	[tilespmem:s17], [sflag:$0x2] =	stream.indirect.gather [hbm4b:s5+s15], $0x20, s26, s15, $0xb8;
	[tilespmem:$0x11000] =	vst v63  }
0x33: {  	p0 =	sne.s32 s25, $0x13800;
	_ =	swait.ge [sflag:s18], $0x1000  }
0x34: {  	[sflag:s18] =	ssyncset.done $0x0  }
0x35: {  	s25 =	sadd.s32 $0xA000, s24;
	[sflag:s18] =	ssyncadd.s32 $0xFFFFF000  }
0x36: {  	[spmem:s1] =	stream.indirect.scatter.add.bf16 [tilespmem:s16], [sflag:$0x3], $0x20, s25, s15, $0xb8;
	[tilespmem:$0x11000] =	vst v63  }
0x37: {  	_ =	swait.ge [sflag:s9], $0x1000  }
0x38: {  	[sflag:s9] =	ssyncset.done $0x0  }
0x39: {  	s25 =	sadd.s32 $0x5100, s24;
	[sflag:s9] =	ssyncadd.s32 $0xFFFFF000  }
0x3a: {  	[tilespmem:s16], [sflag:$0x1] =	stream.indirect.gather [hbm4b:s5+s15], $0x20, s25, s15, $0xb8;
	[tilespmem:$0x11000] =	vst v63  }
0x3b: {  	_ =	swait.ge [sflag:s19], $0x1000  }
.Ltmp0:
0x3c: {  	[sflag:s19] =	ssyncset.done $0x0;
	(pc) =	sbr.rel @p0 .LBB2_2-.Ltmp0, $4  }
0x3d: {  	s24 =	sadd.s32 $0xA080, s24;
	[sflag:s19] =	ssyncadd.s32 $0xFFFFF000  }
0x3e: {  	[spmem:s1] =	stream.indirect.scatter.add.bf16 [tilespmem:s17], [sflag:$0x3], $0x20, s24, s15, $0xb8;
	[tilespmem:$0x11000] =	vst v63  }
0x3f: {  	_ =	swait.ge [sflag:s9], $0x1000  }
0x40: {  	s25 =	smov.u32 s29;
	s24 =	sshra.s32 s28, $0x2;
	[sflag:s9] =	ssyncset.done $0x0  }
0x41: {  	s25 =	sadd.s32 $0x5080, s24;
	[sflag:s9] =	ssyncadd.s32 $0xFFFFF000  }
0x42: {  	[tilespmem:s17], [sflag:$0x2] =	stream.indirect.gather [hbm4b:s5+s15], $0x20, s25, s15, $0xb8;
	[tilespmem:$0x11000] =	vst v63  }
0x43: {  	_ =	swait.ge [sflag:s18], $0x1000  }
0x44: {  	[sflag:s18] =	ssyncset.done $0x0  }
0x45: {  	s29 =	sadd.s32 $0xA000, s24;
	[sflag:s18] =	ssyncadd.s32 $0xFFFFF000  }
0x46: {  	[spmem:s1] =	stream.indirect.scatter.add.bf16 [tilespmem:s16], [sflag:$0x3], $0x20, s29, s15, $0xb8;
	[tilespmem:$0x11000] =	vst v63  }
0x47: {  	_ =	swait.ge [sflag:s9], $0x1000  }
0x48: {  	[sflag:s9] =	ssyncset.done $0x0  }
0x49: {  	s30 =	sadd.s32 $0x5100, s24;
	[sflag:s9] =	ssyncadd.s32 $0xFFFFF000  }
0x4a: {  	[tilespmem:s16], [sflag:$0x1] =	stream.indirect.gather [hbm4b:s5+s15], $0x20, s30, s15, $0xb8;
	[tilespmem:$0x11000] =	vst v63  }
0x4b: {  	_ =	swait.ge [sflag:s19], $0x1000  }
0x4c: {  	[sflag:s19] =	ssyncset.done $0x0  }
0x4d: {  	s31 =	sadd.s32 $0xA080, s24;
	[sflag:s19] =	ssyncadd.s32 $0xFFFFF000  }
0x4e: {  	[spmem:s1] =	stream.indirect.scatter.add.bf16 [tilespmem:s17], [sflag:$0x3], $0x20, s31, s15, $0xb8;
	[tilespmem:$0x11000] =	vst v63  }
0x4f: {  	_ =	swait.ge [sflag:s9], $0x1000  }
0x50: {  	[sflag:s9] =	ssyncset.done $0x0  }
0x51: {  	[sflag:s9] =	ssyncadd.s32 $0xFFFFF000  }
0x52: {  	[tilespmem:s17], [sflag:$0x2] =	stream.indirect.gather [hbm4b:s5+s15], $0x20, s20, s15, $0xb8;
	[tilespmem:$0x11000] =	vst v63  }
0x53: {  	_ =	swait.ge [sflag:s18], $0x1000  }
0x54: {  	[sflag:s18] =	ssyncset.done $0x0  }
0x55: {  	[sflag:s18] =	ssyncadd.s32 $0xFFFFF000  }
0x56: {  	[spmem:s1] =	stream.indirect.scatter.add.bf16 [tilespmem:s16], [sflag:$0x3], $0x20, s21, s15, $0xb8;
	[tilespmem:$0x11000] =	vst v63  }
0x57: {  	_ =	swait.ge [sflag:s9], $0x1000  }
0x58: {  	[sflag:s9] =	ssyncset.done $0x0  }
0x59: {  	[sflag:s9] =	ssyncadd.s32 $0xFFFFF000  }
0x5a: {  	_ =	swait.ge [sflag:s19], $0x1000  }
0x5b: {  	[sflag:s19] =	ssyncset.done $0x0  }
0x5c: {  	[sflag:s19] =	ssyncadd.s32 $0xFFFFF000  }
0x5d: {  	[spmem:s1] =	stream.indirect.scatter.add.bf16 [tilespmem:s17], [sflag:$0x3], $0x20, s22, s15, $0xb8;
	[tilespmem:$0x11000] =	vst v63  }
0x5e: {  	_ =	swait.ge [sflag:s9], $0x1000  }
0x5f: {  	s23 =	sadd.s32 $0x1, s23;
	[sflag:s9] =	ssyncset.done $0x0  }
0x60: {  	p0 =	sne.s32 s23, s7;
	[sflag:s9] =	ssyncadd.s32 $0xFFFFF000  }
.Ltmp1:
0x61: {  	[bflag:$0x0] =	sbarrier.arrive $0xFFFF;
	(pc) =	sbr.rel @p0 .LBB2_1-.Ltmp1, $4  }
0x62: {  	[hbm:s6], [sflag:s13] =	dma.local [spmem:s14], $0xA00  }
0x63: {  	_ =	swait.ge [sflag:s9], $0xA00  }
0x64: {  	[sflag:s9] =	ssyncset.done $0x0  }
0x65: {  	[sflag:s9] =	ssyncadd.s32 $0xFFFFF600  }
0x66: {  	_ =	sfence.sel $0x180000  }
0x67: {  	[bflag:$0x0] =	sbarrier.arrive $0xFFFF  }
0x68: {  	p0 =	sne.s32 s2, $0x0;
	_ =	strace $0x9000004A  }
0x69: {  	s0 =	sadd.s32 @!p0 $0x100000, s0;
	[bflag:$0x2] =	sbarrier.arrive $0xFFFF  }
0x6a: {  	[sflag:s0] =	ssyncadd.tile.s32 @!p0 $0x1;
	_ =	shalt  }
.Lfunc_end2:
_tile_overlayer_lowered:
.L_overlay_start_2:
0x6b: {  	(tag) =	ssettag $0x2  }
0x6c: {  	s0 =	rddreg [dreg:$0x0];
	s2 =	stileid.u32  }
0x6d: {  	s1 =	rddreg [dreg:$0x1];
	p0 =	sne.s32 s2, $0x0  }
0x6e: {  	s3 =	rddreg [dreg:$0x2];
	[bflag:$0x3] =	sbarrier.arrive $0xFFFF;
	s2 =	simm.s32 @!p0 $0x1C03  }
0x6f: {  	[timem:s3], [sflag:s2] =	dma.local @!p0 [hbm:s0], s1  }
0x70: {  	s0 =	simm.s32 @!p0 $0x3  }
0x71: {  	_ =	swait.ge @!p0 [sflag:s0], s1  }
0x72: {  	s1 =	ssub.s32 @!p0 $0x0, s1;
	[sflag:s0] =	ssyncset.done @!p0 $0x0  }
0x73: {  	[sflag:s0] =	ssyncadd.s32 @!p0 s1  }
0x74: {  	[bflag:$0x3] =	sbarrier.arrive $0xFFFF  }
0x75: {  	_ =	shalt  }

// kernel: kernel.14.cloned.1.call-start
scs
__scs_entry_jumppad:
0x0: {  	(pc) =	sbr.rel $0x88, $3  }
0x1: {  	(tag) =	ssettag $0x0;
	lr =	simm.s32 $0x1  }
0x2: {  	[smem:$0x3F9A] =	sst lr;
	_ =	strace $0xD0000000  }
0x3: {  	_ = 	snop  }
0x4: {  	_ = 	snop  }
0x5: {  	_ = 	snop  }
0x6: {  	_ = 	snop  }
0x7: {  	_ = 	snop  }
__scs_overlays_trampoline_lowered:
0x8: {  	[smem:$0x3FA9] =	sst s0  }
0x9: {  	[smem:$0x3FAA] =	sst s1  }
0xa: {  	[smem:$0x3FAB] =	sst s2  }
0xb: {  	[smem:$0x3FAC] =	sst s3  }
0xc: {  	[smem:$0x3FAD] =	sst s4  }
0xd: {  	[smem:$0x3FAE] =	sst s5  }
0xe: {  	[smem:$0x3FAF] =	sst s6  }
0xf: {  	[smem:$0x3FB0] =	sst s7  }
0x10: {  	[smem:$0x3FB1] =	sst s8  }
0x11: {  	[smem:$0x3FB2] =	sst s9;
	s0 =	simm.s32 @!p0 $0x0  }
0x12: {  	s1 =	sld [smem:$0x3F98];
	s0 =	simm.s32 @p0 $0x1  }
0x13: {  	[smem:$0x3FB3] =	sst s0;
	s0 =	simm.s32 @!p1 $0x0  }
0x14: {  	s2 =	sld [smem:$0x3F97];
	s0 =	simm.s32 @p1 $0x1  }
0x15: {  	[smem:$0x3FB4] =	sst s0;
	s0 =	simm.s32 @!p2 $0x0  }
0x16: {  	s3 =	sld [smem:$0x3FDB];
	s0 =	simm.s32 @p2 $0x1  }
0x17: {  	s4 =	simm.s32 $0x1BF5;
	[smem:$0x3FB6] =	sst s0  }
0x18: {  	s0 =	sld [smem:$0x3F99];
	_ =	swait.ge [sflag:s4], $0x0  }
0x19: {  	s7 =	sld [smem:$0x3F9A]  }
0x1a: {  	s8 =	sadd.s32 $0xFFFFE003, lr  }
0x1b: {  	s9 =	sadd.s32 $0xFFFFFEF7, lr;
	s5 =	simm.s32 $0xFFFFFFFF;
	p2 =	slt.u32 s8, $0xFFFFF086  }
0x1c: {  	p1 =	slt.u32 s9, $0xF7A;
	s5 =	simm.s32 @!p2 $0x0  }
0x1d: {  	s5 =	simm.s32 @p1 $0x1;
	p0 =	seq.s32 s7, s2  }
0x1e: {  	s7 =	smul.u32 @!p0 $0xF7A, s2;
	p2 =	seq.s32 @!p0 s5, $0x0  }
0x1f: {  	s9 =	smul.u32 $0xF7A, s1;
	s8 =	simm.s32 @!p0 $0x1BF5;
	p2 =	por !p2, p0  }
0x20: {  	[sflag:s8] =	ssyncset.s32 @!p0 $0xFFFFF086;
	s6 =	sadd.s32 @!p0 s3, s7;
	s7 =	simm.s32 @!p0 $0x108  }
0x21: {  	s3 =	sadd.s32 s3, s9;
	s6 =	sadd.s32 @!p0 $0x88, s6;
	s7 =	simm.s32 @p2 $0x1082  }
0x22: {  	[simem:s7], [sflag:s8] =	dma.local @!p0 [hbm:s6], $0xF7A  }
0x23: {  	s9 =	sor.u32 $0xD0000000, s2;
	s6 =	simm.s32 $0x108;
	_ =	swait.ge @!p0 [sflag:s8], $0x0  }
0x24: {  	s3 =	sadd.s32 $0x88, s3;
	s6 =	simm.s32 @!p1 $0x1082;
	[sflag:s4] =	ssyncset.s32 $0xFFFFF086  }
0x25: {  	[simem:s6], [sflag:s4] =	dma.local [hbm:s3], $0xF7A  }
0x26: {  	[smem:$0x3F9A] =	sst s1;
	(tag) =	ssettag s2;
	_ =	strace s9  }
0x27: {  	s1 =	sld [smem:$0x3FAA]  }
0x28: {  	s2 =	sld [smem:$0x3FAB]  }
0x29: {  	s4 =	sld [smem:$0x3FAD]  }
0x2a: {  	p0 =	seq.s32 s5, $0x0;
	s5 =	sld [smem:$0x3FAE]  }
0x2b: {  	s6 =	sld [smem:$0x3FAF]  }
0x2c: {  	s7 =	sld [smem:$0x3FB0]  }
0x2d: {  	s3 =	simm.s32 $0x108;
	s8 =	sld [smem:$0x3FB1]  }
0x2e: {  	s3 =	simm.s32 @!p0 $0x1082;
	s9 =	sld [smem:$0x3FB2]  }
0x2f: {  	lr =	sadd.s32 s0, s3;
	s0 =	sld [smem:$0x3FA9]  }
0x30: {  	s3 =	sld [smem:$0x3FAC]  }
0x31: {  	[smem:$0x3FB5] =	sst s10  }
0x32: {  	s10 =	sld [smem:$0x3FB3];
	_ =	sdelay $0x3  }
0x33: {  	p0 =	seq.s32 s10, $0x1;
	s10 =	sld [smem:$0x3FB5];
	_ =	sdelay $0x3  }
0x34: {  	[smem:$0x3FB5] =	sst s10  }
0x35: {  	s10 =	sld [smem:$0x3FB4];
	_ =	sdelay $0x3  }
0x36: {  	p1 =	seq.s32 s10, $0x1;
	s10 =	sld [smem:$0x3FB5];
	_ =	sdelay $0x3  }
0x37: {  	[smem:$0x3FB5] =	sst s10  }
0x38: {  	s10 =	sld [smem:$0x3FB6]  }
0x39: {  	_ = 	snop;
	(pc) =	sbr.ind lr, $3  }
0x3a: {  	_ = 	snop  }
0x3b: {  	_ = 	snop  }
0x3c: {  	p2 =	seq.s32 s10, $0x1;
	s10 =	sld [smem:$0x3FB5]  }
0x3d: {  	_ =	shalt  }
0x3e: {  	_ =	shalt  }
0x3f: {  	_ =	shalt  }
0x40: {  	_ =	shalt  }
0x41: {  	_ =	shalt  }
0x42: {  	_ =	shalt  }
0x43: {  	_ =	shalt  }
0x44: {  	_ =	shalt  }
0x45: {  	_ =	shalt  }
0x46: {  	_ =	shalt  }
0x47: {  	_ =	shalt  }
0x48: {  	_ =	shalt  }
0x49: {  	_ =	shalt  }
0x4a: {  	_ =	shalt  }
0x4b: {  	_ =	shalt  }
0x4c: {  	_ =	shalt  }
0x4d: {  	_ =	shalt  }
0x4e: {  	_ =	shalt  }
0x4f: {  	_ =	shalt  }
0x50: {  	_ =	shalt  }
0x51: {  	_ =	shalt  }
0x52: {  	_ =	shalt  }
0x53: {  	_ =	shalt  }
0x54: {  	_ =	shalt  }
0x55: {  	_ =	shalt  }
0x56: {  	_ =	shalt  }
0x57: {  	_ =	shalt  }
0x58: {  	_ =	shalt  }
0x59: {  	_ =	shalt  }
0x5a: {  	_ =	shalt  }
0x5b: {  	_ =	shalt  }
0x5c: {  	_ =	shalt  }
0x5d: {  	_ =	shalt  }
0x5e: {  	_ =	shalt  }
0x5f: {  	_ =	shalt  }
0x60: {  	_ =	shalt  }
0x61: {  	_ =	shalt  }
0x62: {  	_ =	shalt  }
0x63: {  	_ =	shalt  }
0x64: {  	_ =	shalt  }
0x65: {  	_ =	shalt  }
0x66: {  	_ =	shalt  }
0x67: {  	_ =	shalt  }
0x68: {  	_ =	shalt  }
0x69: {  	_ =	shalt  }
0x6a: {  	_ =	shalt  }
0x6b: {  	_ =	shalt  }
0x6c: {  	_ =	shalt  }
0x6d: {  	_ =	shalt  }
0x6e: {  	_ =	shalt  }
0x6f: {  	_ =	shalt  }
0x70: {  	_ =	shalt  }
0x71: {  	_ =	shalt  }
0x72: {  	_ =	shalt  }
0x73: {  	_ =	shalt  }
0x74: {  	_ =	shalt  }
0x75: {  	_ =	shalt  }
0x76: {  	_ =	shalt  }
0x77: {  	_ =	shalt  }
0x78: {  	_ =	shalt  }
0x79: {  	_ =	shalt  }
0x7a: {  	_ =	shalt  }
0x7b: {  	_ =	shalt  }
0x7c: {  	_ =	shalt  }
0x7d: {  	_ =	shalt  }
0x7e: {  	_ =	shalt  }
0x7f: {  	_ =	shalt  }
0x80: {  	_ =	shalt  }
0x81: {  	_ =	shalt  }
0x82: {  	_ =	shalt  }
0x83: {  	_ =	shalt  }
0x84: {  	_ =	shalt  }
0x85: {  	_ =	shalt  }
0x86: {  	_ =	shalt  }
0x87: {  	_ =	shalt  }
.Lfunc_end0:
.L_simem_size_0:
called_computation.2_lowered:
.L_overlay_start_0:
0x88: {  	s2 =	sld [smem:$0x3FD9]  }
0x89: {  	s3 =	sld [smem:$0x3FFE];
	_ =	sdelay $0x1  }
0x8a: {  	s1 =	srdreg.scid  }
0x8b: {  	s0 =	sand.u32 $0x1, s1  }
0x8c: {  	s16 =	sshll.u32 s0, $0xA;
	s2 =	sadd.s32 s3, s2  }
0x8d: {  	s2 =	sadd.s32 s2, s16  }
0x8e: {  	[smem:$0x3FC1] =	sst s2  }
0x8f: {  	_ = 	snop  }
0x90: {  	(tm) =	ssettm $0x1  }
0x91: {  	s17 =	sld [smem:$0x3FFB];
	_ =	sdelay $0x3  }
0x92: {  	_ =	strace s17  }
0x93: {  	s2 =	sld [smem:$0x3FFC];
	_ =	sdelay $0x3  }
0x94: {  	_ =	strace s2  }
0x95: {  	s2 =	sld [smem:$0x3FFD];
	_ =	sdelay $0x3  }
0x96: {  	_ =	strace s2  }
0x97: {  	_ =	strace $0x8FFFFFFF  }
0x98: {  	s18 =	sld [smem:$0x3FDB];
	_ =	sdelay $0x1  }
0x99: {  	s19 =	simm.s32 $_scs_section_size  }
0x9a: {  	s4 =	simm.s32 $_size__tile_overlayer_lowered;
	s5 =	simm.s32 $_tile_overlayer_lowered  }
0x9b: {  	s22 =	simm.s32 $0x1BFF;
	s21 =	sshll.u32 s5, $0x1;
	s2 =	sadd.s32 s19, s18  }
0x9c: {  	s6 =	simm.s32 $0x0;
	s20 =	sshll.u32 s4, $0x1;
	s4 =	sadd.s32 s21, s2  }
0x9d: {  	[timem:s6], [sflag:s22] =	dma.local [hbm:s4], s20  }
0x9e: {  	_ =	swait.ge [sflag:s22], s20  }
0x9f: {  	s3 =	ssub.s32 $0x0, s20;
	[sflag:s22] =	ssyncset.done $0x0  }
0xa0: {  	[sflag:s22] =	ssyncadd.s32 s3;
	_ =	sdelay $0x1  }
0xa1: {  	s23 =	simm.s32 $0x1B8B  }
0xa2: {  	_ =	swait.ge [sflag:s23], $0x1  }
0xa3: {  	[sflag:s23] =	ssyncset.done $0x0  }
0xa4: {  	s25 =	simm.s32 $0x1B8E;
	s24 =	sld [smem:$0x3FFE];
	[sflag:s23] =	ssyncadd.s32 $0xFFFFFFFF  }
0xa5: {  	s26 =	simm.s32 $execute0_lowered;
	[smem:$0x3FD2] =	sst s25  }
0xa6: {  	s4 =	sshll.u32 s26, $0x1;
	_ =	strace $0x8000004C;
	[dreg:$0x1] =	wrdreg $0xFFFFFFFF  }
0xa7: {  	s28 =	simm.s32 $_size_execute0_lowered;
	s2 =	sadd.s32 s2, s4;
	[dreg:$0x0] =	wrdreg $0x0  }
0xa8: {  	s4 =	sshll.u32 s28, $0x1;
	[dreg:$0x2] =	wrdreg s2  }
0xa9: {  	[dreg:$0x3] =	wrdreg s4  }
0xaa: {  	[dreg:$0x4] =	wrdreg $0xC0  }
0xab: {  	_ =	task [dreg:s6], $0x5FFFF  }
0xac: {  	[dreg:$0x1] =	wrdreg $0xFFFFFFFF  }
0xad: {  	[dreg:$0x0] =	wrdreg $0x60  }
0xae: {  	[dreg:$0x2] =	wrdreg s24  }
0xaf: {  	[dreg:$0x3] =	wrdreg $0x0  }
0xb0: {  	[dreg:$0x4] =	wrdreg $0x9  }
0xb1: {  	_ =	task.clear_ibuf [dreg:s6], $0x5FFFF;
	_ =	strace $0x9000004C  }
0xb2: {  	s29 =	simm.s32 $0x9;
	_ =	strace $0x8000004E  }
0xb3: {  	_ =	swait.ge [sflag:s29], $0x1  }
0xb4: {  	[sflag:s29] =	ssyncadd.s32 $0xFFFFFFFF  }
0xb5: {  	_ =	strace $0x9000004E  }
0xb6: {  	_ =	sfence  }
0xb7: {  	s30 =	sld [smem:$0x0];
	_ =	sdelay $0x2  }
0xb8: {  	s31 =	sshll.u32 s1, $0xD;
	s1 =	sshrl.u32 s1, $0x2  }
0xb9: {  	s3 =	sand.u32 $0x4000, s31;
	s1 =	sadd.s32 s1, s30  }
0xba: {  	s0 =	sor.u32 s3, s0;
	s1 =	sshll.u32 s1, $0x11  }
0xbb: {  	s0 =	sor.u32 s1, s0  }
0xbc: {  	s0 =	sadd.s32 $0x8F2B, s0  }
0xbd: {  	[sflag:s0] =	ssyncadd.remote.s32 $0x1  }
0xbe: {  	_ =	sfence.sel $0xFFFF  }
0xbf: {  	[dreg:$0x0] =	wrdreg $0xFFFFFFFF;
	(pc) =	sbr.abs _section_cstart, $3  }
0xc0: {  	[dreg:$0x1] =	wrdreg $0xFFFFFFFF  }
0xc1: {  	_ =	task.clear_ibuf [dreg:s6], $0x2FFFF;
	_ =	strace $0x9FFFFFFF  }
0xc2: {  	(tm) =	ssettm $0x7FFFFFFF  }
0xc3: {  	_ =	shalt  }
tec
execute0_lowered:
.L_overlay_start_1:
0x0: {  	(tag) =	ssettag $0x1  }
0x1: {  	s6 =	rddreg [dreg:$0x0]  }
0x2: {  	s2 =	rddreg [dreg:$0x1];
	s3 =	srdreg.scid  }
0x3: {  	s1 =	stileid.u32;
	s0 =	rddreg [dreg:$0x2];
	s15 =	simm.s32 $0x80  }
0x4: {  	s16 =	simm.s32 $0x7800;
	s17 =	simm.s32 $0x8000;
	s18 =	simm.s32 $0x1  }
0x5: {  	s19 =	simm.s32 $0x2;
	s20 =	simm.s32 $0x4F80;
	s21 =	simm.s32 $0x7700  }
0x6: {  	s22 =	simm.s32 $0x7780;
	s23 =	simm.s32 $0x0;
	s5 =	sand.u32 $0x1, s3  }
0x7: {  	s7 =	smul.u32 $0x2800, s1;
	s3 =	simm.s32 $0x0;
	s12 =	sadd.s32 $0xC200, s6  }
0x8: {  	s13 =	sshll.u32 s1, $0x6;
	s4 =	sshll.u32 s5, $0x4;
	s8 =	smul.u32 $0x28000, s5  }
0x9: {  	[smem:$0x7FF] =	sst s3;
	s5 =	ssub.s32 $0x2, s5;
	s13 =	sor.u32 $0x1C03, s13  }
0xa: {  	s4 =	sor.u32 s1, s4;
	_ =	strace $0x8000004D;
	s10 =	sshrl.u32 s5, $0x1  }
0xb: {  	s31 =	sshrl.u32 s7, $0x3;
	s14 =	sadd.s32 s7, s2;
	s11 =	smul.u32 $0x500, s4  }
0xc: {  	s8 =	sadd.s32 s7, s8;
	s4 =	sadd.s32 $0x16200, s6;
	s10 =	ssub.s32 s5, s10  }
0xd: {  	s14 =	sshrl.u32 s14, $0x3;
	s8 =	sshrl.u32 s8, $0x3;
	s9 =	sadd.s32 s11, s6  }
0xe: {  	s8 =	sadd.s32 s8, s6;
	s6 =	sadd.s32 s4, s31;
	s11 =	sadd.s32 s11, s12  }
0xf: {  	s12 =	simm.s32 $0x5000;
	s5 =	sadd.s32 $0x2200, s9;
	s7 =	sadd.s32 $0x1B200, s8  }
0x10: {  	s8 =	smax.u32 s10, $0x1;
	s9 =	simm.s32 $0x2800;
	s10 =	simm.s32 $0x3  }
.LBB2_1:
0x11: {  	[tilespmem:s9], [sflag:$0x3] =	stream.linear.gather [hbm4b:s5+s3], $0x2800, $0x38;
	[tilespmem:$0x8800] =	vst v63  }
0x12: {  	_ =	swait.ge [sflag:s10], $0x2800  }
0x13: {  	[sflag:s10] =	ssyncset.done $0x0  }
0x14: {  	[sflag:s10] =	ssyncadd.s32 $0xFFFFD800  }
0x15: {  	[tilespmem:s12], [sflag:$0x3] =	stream.linear.gather [hbm4b:s11+s3], $0x2800, $0x38;
	[tilespmem:$0x8800] =	vst v63  }
0x16: {  	_ =	swait.ge [sflag:s10], $0x2800  }
0x17: {  	[sflag:s10] =	ssyncset.done $0x0  }
0x18: {  	[sflag:s10] =	ssyncadd.s32 $0xFFFFD800  }
0x19: {  	[spmem:s14], [sflag:s13] =	dma.local [hbm:s6], $0x500  }
0x1a: {  	_ =	swait.ge [sflag:s10], $0x500  }
0x1b: {  	[sflag:s10] =	ssyncset.done $0x0  }
0x1c: {  	[sflag:s10] =	ssyncadd.s32 $0xFFFFFB00  }
0x1d: {  	[bflag:$0x0] =	sbarrier.arrive $0xFFFF  }
0x1e: {  	[tilespmem:s16], [sflag:$0x1] =	stream.indirect.gather [hbm4b:s4+s15], $0x10, s9, s15, $0xb8;
	[tilespmem:$0x8800] =	vst v63  }
0x1f: {  	s24 =	simm.s32 $0x2880  }
0x20: {  	[tilespmem:s17], [sflag:$0x2] =	stream.indirect.gather [hbm4b:s4+s15], $0x10, s24, s15, $0xb8;
	[tilespmem:$0x8800] =	vst v63  }
0x21: {  	_ =	swait.ge [sflag:s18], $0x800  }
0x22: {  	[sflag:s18] =	ssyncset.done $0x0  }
0x23: {  	s29 =	simm.s32 $0x5000;
	[sflag:s18] =	ssyncadd.s32 $0xFFFFF800  }
0x24: {  	[spmem:s2] =	stream.indirect.scatter.add.f32 [tilespmem:s16], [sflag:$0x3], $0x10, s29, s15, $0xb8;
	[tilespmem:$0x8800] =	vst v63  }
0x25: {  	_ =	swait.ge [sflag:s10], $0x800  }
0x26: {  	[sflag:s10] =	ssyncset.done $0x0  }
0x27: {  	s30 =	simm.s32 $0x2900;
	[sflag:s10] =	ssyncadd.s32 $0xFFFFF800  }
0x28: {  	[tilespmem:s16], [sflag:$0x1] =	stream.indirect.gather [hbm4b:s4+s15], $0x10, s30, s15, $0xb8;
	[tilespmem:$0x8800] =	vst v63  }
0x29: {  	_ =	swait.ge [sflag:s19], $0x800  }
0x2a: {  	[sflag:s19] =	ssyncset.done $0x0  }
0x2b: {  	s31 =	simm.s32 $0x5080;
	[sflag:s19] =	ssyncadd.s32 $0xFFFFF800  }
0x2c: {  	[spmem:s2] =	stream.indirect.scatter.add.f32 [tilespmem:s17], [sflag:$0x3], $0x10, s31, s15, $0xb8;
	[tilespmem:$0x8800] =	vst v63  }
0x2d: {  	_ =	swait.ge [sflag:s10], $0x800  }
0x2e: {  	s25 =	simm.s32 $0x800;
	s24 =	simm.s32 $0x100;
	[sflag:s10] =	ssyncset.done $0x0  }
.LBB2_2:
0x2f: {  	s26 =	sadd.s32 $0x2880, s24  }
0x30: {  	[sflag:s10] =	ssyncadd.s32 $0xFFFFF800;
	s28 =	smov.u32 s25;
	s29 =	sadd.s32 $0x400, s25  }
0x31: {  	[tilespmem:s17], [sflag:$0x2] =	stream.indirect.gather [hbm4b:s4+s15], $0x10, s26, s15, $0xb8;
	[tilespmem:$0x8800] =	vst v63  }
0x32: {  	p0 =	sne.s32 s25, $0x9800;
	_ =	swait.ge [sflag:s18], $0x800  }
0x33: {  	[sflag:s18] =	ssyncset.done $0x0  }
0x34: {  	s25 =	sadd.s32 $0x5000, s24;
	[sflag:s18] =	ssyncadd.s32 $0xFFFFF800  }
0x35: {  	[spmem:s2] =	stream.indirect.scatter.add.f32 [tilespmem:s16], [sflag:$0x3], $0x10, s25, s15, $0xb8;
	[tilespmem:$0x8800] =	vst v63  }
0x36: {  	_ =	swait.ge [sflag:s10], $0x800  }
0x37: {  	[sflag:s10] =	ssyncset.done $0x0  }
0x38: {  	s25 =	sadd.s32 $0x2900, s24;
	[sflag:s10] =	ssyncadd.s32 $0xFFFFF800  }
0x39: {  	[tilespmem:s16], [sflag:$0x1] =	stream.indirect.gather [hbm4b:s4+s15], $0x10, s25, s15, $0xb8;
	[tilespmem:$0x8800] =	vst v63  }
0x3a: {  	_ =	swait.ge [sflag:s19], $0x800  }
.Ltmp0:
0x3b: {  	[sflag:s19] =	ssyncset.done $0x0;
	(pc) =	sbr.rel @p0 .LBB2_2-.Ltmp0, $4  }
0x3c: {  	s24 =	sadd.s32 $0x5080, s24;
	[sflag:s19] =	ssyncadd.s32 $0xFFFFF800  }
0x3d: {  	[spmem:s2] =	stream.indirect.scatter.add.f32 [tilespmem:s17], [sflag:$0x3], $0x10, s24, s15, $0xb8;
	[tilespmem:$0x8800] =	vst v63  }
0x3e: {  	_ =	swait.ge [sflag:s10], $0x800  }
0x3f: {  	s25 =	smov.u32 s29;
	s24 =	sshra.s32 s28, $0x2;
	[sflag:s10] =	ssyncset.done $0x0  }
0x40: {  	s25 =	sadd.s32 $0x2880, s24;
	[sflag:s10] =	ssyncadd.s32 $0xFFFFF800  }
0x41: {  	[tilespmem:s17], [sflag:$0x2] =	stream.indirect.gather [hbm4b:s4+s15], $0x10, s25, s15, $0xb8;
	[tilespmem:$0x8800] =	vst v63  }
0x42: {  	_ =	swait.ge [sflag:s18], $0x800  }
0x43: {  	[sflag:s18] =	ssyncset.done $0x0  }
0x44: {  	s29 =	sadd.s32 $0x5000, s24;
	[sflag:s18] =	ssyncadd.s32 $0xFFFFF800  }
0x45: {  	[spmem:s2] =	stream.indirect.scatter.add.f32 [tilespmem:s16], [sflag:$0x3], $0x10, s29, s15, $0xb8;
	[tilespmem:$0x8800] =	vst v63  }
0x46: {  	_ =	swait.ge [sflag:s10], $0x800  }
0x47: {  	[sflag:s10] =	ssyncset.done $0x0  }
0x48: {  	s30 =	sadd.s32 $0x2900, s24;
	[sflag:s10] =	ssyncadd.s32 $0xFFFFF800  }
0x49: {  	[tilespmem:s16], [sflag:$0x1] =	stream.indirect.gather [hbm4b:s4+s15], $0x10, s30, s15, $0xb8;
	[tilespmem:$0x8800] =	vst v63  }
0x4a: {  	_ =	swait.ge [sflag:s19], $0x800  }
0x4b: {  	[sflag:s19] =	ssyncset.done $0x0  }
0x4c: {  	s31 =	sadd.s32 $0x5080, s24;
	[sflag:s19] =	ssyncadd.s32 $0xFFFFF800  }
0x4d: {  	[spmem:s2] =	stream.indirect.scatter.add.f32 [tilespmem:s17], [sflag:$0x3], $0x10, s31, s15, $0xb8;
	[tilespmem:$0x8800] =	vst v63  }
0x4e: {  	_ =	swait.ge [sflag:s10], $0x800  }
0x4f: {  	[sflag:s10] =	ssyncset.done $0x0  }
0x50: {  	[sflag:s10] =	ssyncadd.s32 $0xFFFFF800  }
0x51: {  	[tilespmem:s17], [sflag:$0x2] =	stream.indirect.gather [hbm4b:s4+s15], $0x10, s20, s15, $0xb8;
	[tilespmem:$0x8800] =	vst v63  }
0x52: {  	_ =	swait.ge [sflag:s18], $0x800  }
0x53: {  	[sflag:s18] =	ssyncset.done $0x0  }
0x54: {  	[sflag:s18] =	ssyncadd.s32 $0xFFFFF800  }
0x55: {  	[spmem:s2] =	stream.indirect.scatter.add.f32 [tilespmem:s16], [sflag:$0x3], $0x10, s21, s15, $0xb8;
	[tilespmem:$0x8800] =	vst v63  }
0x56: {  	_ =	swait.ge [sflag:s10], $0x800  }
0x57: {  	[sflag:s10] =	ssyncset.done $0x0  }
0x58: {  	[sflag:s10] =	ssyncadd.s32 $0xFFFFF800  }
0x59: {  	_ =	swait.ge [sflag:s19], $0x800  }
0x5a: {  	[sflag:s19] =	ssyncset.done $0x0  }
0x5b: {  	[sflag:s19] =	ssyncadd.s32 $0xFFFFF800  }
0x5c: {  	[spmem:s2] =	stream.indirect.scatter.add.f32 [tilespmem:s17], [sflag:$0x3], $0x10, s22, s15, $0xb8;
	[tilespmem:$0x8800] =	vst v63  }
0x5d: {  	_ =	swait.ge [sflag:s10], $0x800  }
0x5e: {  	s23 =	sadd.s32 $0x1, s23;
	[sflag:s10] =	ssyncset.done $0x0  }
0x5f: {  	p0 =	sne.s32 s23, s8;
	[sflag:s10] =	ssyncadd.s32 $0xFFFFF800  }
.Ltmp1:
0x60: {  	[bflag:$0x0] =	sbarrier.arrive $0xFFFF;
	(pc) =	sbr.rel @p0 .LBB2_1-.Ltmp1, $4  }
0x61: {  	[hbm:s7], [sflag:s13] =	dma.local [spmem:s14], $0x500  }
0x62: {  	_ =	swait.ge [sflag:s10], $0x500  }
0x63: {  	[sflag:s10] =	ssyncset.done $0x0  }
0x64: {  	[sflag:s10] =	ssyncadd.s32 $0xFFFFFB00  }
0x65: {  	_ =	sfence.sel $0x180000  }
0x66: {  	[bflag:$0x0] =	sbarrier.arrive $0xFFFF  }
0x67: {  	p0 =	sne.s32 s1, $0x0;
	_ =	strace $0x9000004D  }
0x68: {  	s0 =	sadd.s32 @!p0 $0x100000, s0;
	[bflag:$0x2] =	sbarrier.arrive $0xFFFF  }
0x69: {  	[sflag:s0] =	ssyncadd.tile.s32 @!p0 $0x1;
	_ =	shalt  }
.Lfunc_end2:
_tile_overlayer_lowered:
.L_overlay_start_2:
0x6a: {  	(tag) =	ssettag $0x2  }
0x6b: {  	s0 =	rddreg [dreg:$0x0];
	s2 =	stileid.u32  }
0x6c: {  	s1 =	rddreg [dreg:$0x1];
	p0 =	sne.s32 s2, $0x0  }
0x6d: {  	s3 =	rddreg [dreg:$0x2];
	[bflag:$0x3] =	sbarrier.arrive $0xFFFF;
	s2 =	simm.s32 @!p0 $0x1C03  }
0x6e: {  	[timem:s3], [sflag:s2] =	dma.local @!p0 [hbm:s0], s1  }
0x6f: {  	s0 =	simm.s32 @!p0 $0x3  }
0x70: {  	_ =	swait.ge @!p0 [sflag:s0], s1  }
0x71: {  	s1 =	ssub.s32 @!p0 $0x0, s1;
	[sflag:s0] =	ssyncset.done @!p0 $0x0  }
0x72: {  	[sflag:s0] =	ssyncadd.s32 @!p0 s1  }
0x73: {  	[bflag:$0x3] =	sbarrier.arrive $0xFFFF  }
0x74: {  	_ =	shalt  }

// kernel: kernel.8.cloned.1.call-start
scs
__scs_entry_jumppad:
0x0: {  	(pc) =	sbr.rel $0x88, $3  }
0x1: {  	(tag) =	ssettag $0x0;
	lr =	simm.s32 $0x1  }
0x2: {  	[smem:$0x3F9A] =	sst lr;
	_ =	strace $0xD0000000  }
0x3: {  	_ = 	snop  }
0x4: {  	_ = 	snop  }
0x5: {  	_ = 	snop  }
0x6: {  	_ = 	snop  }
0x7: {  	_ = 	snop  }
__scs_overlays_trampoline_lowered:
0x8: {  	[smem:$0x3FA9] =	sst s0  }
0x9: {  	[smem:$0x3FAA] =	sst s1  }
0xa: {  	[smem:$0x3FAB] =	sst s2  }
0xb: {  	[smem:$0x3FAC] =	sst s3  }
0xc: {  	[smem:$0x3FAD] =	sst s4  }
0xd: {  	[smem:$0x3FAE] =	sst s5  }
0xe: {  	[smem:$0x3FAF] =	sst s6  }
0xf: {  	[smem:$0x3FB0] =	sst s7  }
0x10: {  	[smem:$0x3FB1] =	sst s8  }
0x11: {  	[smem:$0x3FB2] =	sst s9;
	s0 =	simm.s32 @!p0 $0x0  }
0x12: {  	s1 =	sld [smem:$0x3F98];
	s0 =	simm.s32 @p0 $0x1  }
0x13: {  	[smem:$0x3FB3] =	sst s0;
	s0 =	simm.s32 @!p1 $0x0  }
0x14: {  	s2 =	sld [smem:$0x3F97];
	s0 =	simm.s32 @p1 $0x1  }
0x15: {  	[smem:$0x3FB4] =	sst s0;
	s0 =	simm.s32 @!p2 $0x0  }
0x16: {  	s3 =	sld [smem:$0x3FDB];
	s0 =	simm.s32 @p2 $0x1  }
0x17: {  	s4 =	simm.s32 $0x1BF5;
	[smem:$0x3FB6] =	sst s0  }
0x18: {  	s0 =	sld [smem:$0x3F99];
	_ =	swait.ge [sflag:s4], $0x0  }
0x19: {  	s7 =	sld [smem:$0x3F9A]  }
0x1a: {  	s8 =	sadd.s32 $0xFFFFE003, lr  }
0x1b: {  	s9 =	sadd.s32 $0xFFFFFEF7, lr;
	s5 =	simm.s32 $0xFFFFFFFF;
	p2 =	slt.u32 s8, $0xFFFFF086  }
0x1c: {  	p1 =	slt.u32 s9, $0xF7A;
	s5 =	simm.s32 @!p2 $0x0  }
0x1d: {  	s5 =	simm.s32 @p1 $0x1;
	p0 =	seq.s32 s7, s2  }
0x1e: {  	s7 =	smul.u32 @!p0 $0xF7A, s2;
	p2 =	seq.s32 @!p0 s5, $0x0  }
0x1f: {  	s9 =	smul.u32 $0xF7A, s1;
	s8 =	simm.s32 @!p0 $0x1BF5;
	p2 =	por !p2, p0  }
0x20: {  	[sflag:s8] =	ssyncset.s32 @!p0 $0xFFFFF086;
	s6 =	sadd.s32 @!p0 s3, s7;
	s7 =	simm.s32 @!p0 $0x108  }
0x21: {  	s3 =	sadd.s32 s3, s9;
	s6 =	sadd.s32 @!p0 $0x88, s6;
	s7 =	simm.s32 @p2 $0x1082  }
0x22: {  	[simem:s7], [sflag:s8] =	dma.local @!p0 [hbm:s6], $0xF7A  }
0x23: {  	s9 =	sor.u32 $0xD0000000, s2;
	s6 =	simm.s32 $0x108;
	_ =	swait.ge @!p0 [sflag:s8], $0x0  }
0x24: {  	s3 =	sadd.s32 $0x88, s3;
	s6 =	simm.s32 @!p1 $0x1082;
	[sflag:s4] =	ssyncset.s32 $0xFFFFF086  }
0x25: {  	[simem:s6], [sflag:s4] =	dma.local [hbm:s3], $0xF7A  }
0x26: {  	[smem:$0x3F9A] =	sst s1;
	(tag) =	ssettag s2;
	_ =	strace s9  }
0x27: {  	s1 =	sld [smem:$0x3FAA]  }
0x28: {  	s2 =	sld [smem:$0x3FAB]  }
0x29: {  	s4 =	sld [smem:$0x3FAD]  }
0x2a: {  	p0 =	seq.s32 s5, $0x0;
	s5 =	sld [smem:$0x3FAE]  }
0x2b: {  	s6 =	sld [smem:$0x3FAF]  }
0x2c: {  	s7 =	sld [smem:$0x3FB0]  }
0x2d: {  	s3 =	simm.s32 $0x108;
	s8 =	sld [smem:$0x3FB1]  }
0x2e: {  	s3 =	simm.s32 @!p0 $0x1082;
	s9 =	sld [smem:$0x3FB2]  }
0x2f: {  	lr =	sadd.s32 s0, s3;
	s0 =	sld [smem:$0x3FA9]  }
0x30: {  	s3 =	sld [smem:$0x3FAC]  }
0x31: {  	[smem:$0x3FB5] =	sst s10  }
0x32: {  	s10 =	sld [smem:$0x3FB3];
	_ =	sdelay $0x3  }
0x33: {  	p0 =	seq.s32 s10, $0x1;
	s10 =	sld [smem:$0x3FB5];
	_ =	sdelay $0x3  }
0x34: {  	[smem:$0x3FB5] =	sst s10  }
0x35: {  	s10 =	sld [smem:$0x3FB4];
	_ =	sdelay $0x3  }
0x36: {  	p1 =	seq.s32 s10, $0x1;
	s10 =	sld [smem:$0x3FB5];
	_ =	sdelay $0x3  }
0x37: {  	[smem:$0x3FB5] =	sst s10  }
0x38: {  	s10 =	sld [smem:$0x3FB6]  }
0x39: {  	_ = 	snop;
	(pc) =	sbr.ind lr, $3  }
0x3a: {  	_ = 	snop  }
0x3b: {  	_ = 	snop  }
0x3c: {  	p2 =	seq.s32 s10, $0x1;
	s10 =	sld [smem:$0x3FB5]  }
0x3d: {  	_ =	shalt  }
0x3e: {  	_ =	shalt  }
0x3f: {  	_ =	shalt  }
0x40: {  	_ =	shalt  }
0x41: {  	_ =	shalt  }
0x42: {  	_ =	shalt  }
0x43: {  	_ =	shalt  }
0x44: {  	_ =	shalt  }
0x45: {  	_ =	shalt  }
0x46: {  	_ =	shalt  }
0x47: {  	_ =	shalt  }
0x48: {  	_ =	shalt  }
0x49: {  	_ =	shalt  }
0x4a: {  	_ =	shalt  }
0x4b: {  	_ =	shalt  }
0x4c: {  	_ =	shalt  }
0x4d: {  	_ =	shalt  }
0x4e: {  	_ =	shalt  }
0x4f: {  	_ =	shalt  }
0x50: {  	_ =	shalt  }
0x51: {  	_ =	shalt  }
0x52: {  	_ =	shalt  }
0x53: {  	_ =	shalt  }
0x54: {  	_ =	shalt  }
0x55: {  	_ =	shalt  }
0x56: {  	_ =	shalt  }
0x57: {  	_ =	shalt  }
0x58: {  	_ =	shalt  }
0x59: {  	_ =	shalt  }
0x5a: {  	_ =	shalt  }
0x5b: {  	_ =	shalt  }
0x5c: {  	_ =	shalt  }
0x5d: {  	_ =	shalt  }
0x5e: {  	_ =	shalt  }
0x5f: {  	_ =	shalt  }
0x60: {  	_ =	shalt  }
0x61: {  	_ =	shalt  }
0x62: {  	_ =	shalt  }
0x63: {  	_ =	shalt  }
0x64: {  	_ =	shalt  }
0x65: {  	_ =	shalt  }
0x66: {  	_ =	shalt  }
0x67: {  	_ =	shalt  }
0x68: {  	_ =	shalt  }
0x69: {  	_ =	shalt  }
0x6a: {  	_ =	shalt  }
0x6b: {  	_ =	shalt  }
0x6c: {  	_ =	shalt  }
0x6d: {  	_ =	shalt  }
0x6e: {  	_ =	shalt  }
0x6f: {  	_ =	shalt  }
0x70: {  	_ =	shalt  }
0x71: {  	_ =	shalt  }
0x72: {  	_ =	shalt  }
0x73: {  	_ =	shalt  }
0x74: {  	_ =	shalt  }
0x75: {  	_ =	shalt  }
0x76: {  	_ =	shalt  }
0x77: {  	_ =	shalt  }
0x78: {  	_ =	shalt  }
0x79: {  	_ =	shalt  }
0x7a: {  	_ =	shalt  }
0x7b: {  	_ =	shalt  }
0x7c: {  	_ =	shalt  }
0x7d: {  	_ =	shalt  }
0x7e: {  	_ =	shalt  }
0x7f: {  	_ =	shalt  }
0x80: {  	_ =	shalt  }
0x81: {  	_ =	shalt  }
0x82: {  	_ =	shalt  }
0x83: {  	_ =	shalt  }
0x84: {  	_ =	shalt  }
0x85: {  	_ =	shalt  }
0x86: {  	_ =	shalt  }
0x87: {  	_ =	shalt  }
.Lfunc_end0:
.L_simem_size_0:
called_computation_lowered:
.L_overlay_start_0:
0x88: {  	s2 =	sld [smem:$0x3FD9]  }
0x89: {  	s3 =	sld [smem:$0x3FFE];
	_ =	sdelay $0x1  }
0x8a: {  	s1 =	srdreg.scid  }
0x8b: {  	s0 =	sand.u32 $0x1, s1  }
0x8c: {  	s17 =	sshll.u32 s0, $0xA;
	s2 =	sadd.s32 s3, s2  }
0x8d: {  	s2 =	sadd.s32 s2, s17  }
0x8e: {  	[smem:$0x3FC1] =	sst s2  }
0x8f: {  	_ = 	snop  }
0x90: {  	s2 =	sld [smem:$0x3FD0];
	(tm) =	ssettm $0x1  }
0x91: {  	s18 =	sld [smem:$0x3FFB];
	_ =	sdelay $0x3  }
0x92: {  	_ =	strace s18  }
0x93: {  	s3 =	sld [smem:$0x3FFC];
	_ =	sdelay $0x3  }
0x94: {  	_ =	strace s3  }
0x95: {  	s3 =	sld [smem:$0x3FFD];
	_ =	sdelay $0x3  }
0x96: {  	_ =	strace s3  }
0x97: {  	_ =	strace $0x8FFFFFFF  }
0x98: {  	s19 =	sld [smem:$0x3FDB];
	_ =	sdelay $0x1  }
0x99: {  	s4 =	simm.s32 $_scs_section_size  }
0x9a: {  	s5 =	simm.s32 $_size__tile_overlayer_lowered;
	s6 =	simm.s32 $_tile_overlayer_lowered  }
0x9b: {  	s22 =	simm.s32 $0x1BFF;
	s21 =	sshll.u32 s6, $0x1;
	s3 =	sadd.s32 s4, s19  }
0x9c: {  	s7 =	simm.s32 $0x0;
	s20 =	sshll.u32 s5, $0x1;
	s5 =	sadd.s32 s21, s3  }
0x9d: {  	[timem:s7], [sflag:s22] =	dma.local [hbm:s5], s20  }
0x9e: {  	_ =	swait.ge [sflag:s22], s20  }
0x9f: {  	s4 =	ssub.s32 $0x0, s20;
	[sflag:s22] =	ssyncset.done $0x0  }
0xa0: {  	[sflag:s22] =	ssyncadd.s32 s4;
	_ =	sdelay $0x1  }
0xa1: {  	s23 =	simm.s32 $0x1B8B  }
0xa2: {  	_ =	swait.ge [sflag:s23], $0x1  }
0xa3: {  	[sflag:s23] =	ssyncset.done $0x0  }
0xa4: {  	s25 =	simm.s32 $0x1B8E;
	s24 =	sld [smem:$0x3FFE];
	[sflag:s23] =	ssyncadd.s32 $0xFFFFFFFF  }
0xa5: {  	s26 =	simm.s32 $execute0_lowered;
	[smem:$0x3FD2] =	sst s25  }
0xa6: {  	s5 =	sshll.u32 s26, $0x1;
	_ =	strace $0x80000046;
	[dreg:$0x1] =	wrdreg $0xFFFFFFFF  }
0xa7: {  	s28 =	simm.s32 $_size_execute0_lowered;
	s3 =	sadd.s32 s3, s5;
	[dreg:$0x0] =	wrdreg $0x0  }
0xa8: {  	s5 =	sshll.u32 s28, $0x1;
	[dreg:$0x2] =	wrdreg s3  }
0xa9: {  	[dreg:$0x3] =	wrdreg s5  }
0xaa: {  	[dreg:$0x4] =	wrdreg $0xC0  }
0xab: {  	_ =	task [dreg:s7], $0x5FFFF  }
0xac: {  	[dreg:$0x1] =	wrdreg $0xFFFFFFFF  }
0xad: {  	[dreg:$0x0] =	wrdreg $0x60  }
0xae: {  	[dreg:$0x2] =	wrdreg s24  }
0xaf: {  	[dreg:$0x3] =	wrdreg s2  }
0xb0: {  	[dreg:$0x4] =	wrdreg $0x0  }
0xb1: {  	[dreg:$0x5] =	wrdreg $0x9  }
0xb2: {  	_ =	task.clear_ibuf [dreg:s7], $0x6FFFF;
	_ =	strace $0x90000046  }
0xb3: {  	s29 =	simm.s32 $0x9;
	_ =	strace $0x80000048  }
0xb4: {  	_ =	swait.ge [sflag:s29], $0x1  }
0xb5: {  	[sflag:s29] =	ssyncadd.s32 $0xFFFFFFFF  }
0xb6: {  	_ =	strace $0x90000048  }
0xb7: {  	_ =	sfence  }
0xb8: {  	s30 =	sld [smem:$0x0];
	_ =	sdelay $0x2  }
0xb9: {  	s31 =	sshll.u32 s1, $0xD;
	s1 =	sshrl.u32 s1, $0x2  }
0xba: {  	s3 =	sand.u32 $0x4000, s31;
	s1 =	sadd.s32 s1, s30  }
0xbb: {  	s0 =	sor.u32 s3, s0;
	s1 =	sshll.u32 s1, $0x11  }
0xbc: {  	s0 =	sor.u32 s1, s0  }
0xbd: {  	s0 =	sadd.s32 $0x8F2B, s0  }
0xbe: {  	[sflag:s0] =	ssyncadd.remote.s32 $0x1  }
0xbf: {  	_ =	sfence.sel $0xFFFF  }
0xc0: {  	[dreg:$0x0] =	wrdreg $0xFFFFFFFF;
	(pc) =	sbr.abs _section_cstart, $3  }
0xc1: {  	[dreg:$0x1] =	wrdreg $0xFFFFFFFF  }
0xc2: {  	_ =	task.clear_ibuf [dreg:s7], $0x2FFFF;
	_ =	strace $0x9FFFFFFF  }
0xc3: {  	(tm) =	ssettm $0x7FFFFFFF  }
tec
execute0_lowered:
.L_overlay_start_1:
0x0: {  	(tag) =	ssettag $0x1  }
0x1: {  	s5 =	rddreg [dreg:$0x0]  }
0x2: {  	s1 =	srdreg.scid;
	s2 =	rddreg [dreg:$0x1]  }
0x3: {  	s0 =	stileid.u32;
	s3 =	rddreg [dreg:$0x2];
	s4 =	simm.s32 $0x0  }
0x4: {  	s13 =	simm.s32 $0x5000;
	s14 =	simm.s32 $0x80;
	s15 =	simm.s32 $0x1  }
0x5: {  	s16 =	simm.s32 $0x0;
	s6 =	sand.u32 $0x1, s1;
	s1 =	rddreg [dreg:$0x3]  }
0x6: {  	s7 =	smul.u32 $0x2800, s0;
	[smem:$0x7FF] =	sst s4;
	s11 =	sshll.u32 s0, $0x6  }
0x7: {  	s8 =	sshll.u32 s6, $0x4;
	s9 =	smul.u32 $0x28000, s6;
	_ =	strace $0x80000047  }
0x8: {  	s6 =	ssub.s32 $0x2, s6;
	s11 =	sor.u32 $0x1C02, s11;
	s8 =	sor.u32 s0, s8  }
0x9: {  	s31 =	sshrl.u32 s6, $0x1;
	s8 =	smul.u32 $0x500, s8;
	s9 =	sadd.s32 s7, s9  }
0xa: {  	s12 =	sadd.s32 s7, s3;
	s10 =	ssub.s32 s6, s31;
	s9 =	sshrl.u32 s9, $0x3  }
0xb: {  	s12 =	sshrl.u32 s12, $0x3;
	s8 =	sadd.s32 s8, s5;
	s9 =	sadd.s32 s9, s5  }
0xc: {  	s5 =	sadd.s32 $0xC200, s8;
	s6 =	sadd.s32 $0x16200, s9;
	s7 =	sadd.s32 $0x20200, s9  }
0xd: {  	s8 =	smax.u32 s10, $0x1;
	s9 =	simm.s32 $0x2800;
	s10 =	simm.s32 $0x2  }
.LBB2_1:
0xe: {  	[tilespmem:s9], [sflag:$0x2] =	stream.linear.gather [hbm4b:s5+s4], $0x2800, $0x38;
	[tilespmem:$0x5800] =	vst v63  }
0xf: {  	_ =	swait.ge [sflag:s10], $0x2800  }
0x10: {  	[sflag:s10] =	ssyncset.done $0x0  }
0x11: {  	[sflag:s10] =	ssyncadd.s32 $0xFFFFD800  }
0x12: {  	[spmem:s12], [sflag:s11] =	dma.local [hbm:s6], $0x500  }
0x13: {  	_ =	swait.ge [sflag:s10], $0x500  }
0x14: {  	[sflag:s10] =	ssyncset.done $0x0  }
0x15: {  	[sflag:s10] =	ssyncadd.s32 $0xFFFFFB00  }
0x16: {  	[tilespmem:s13], [sflag:$0x2] =	stream.linear.gather [hbm4b:s2+s4], $0x800, $0x38;
	[tilespmem:$0x5800] =	vst v63  }
0x17: {  	_ =	swait.ge [sflag:s10], $0x800  }
0x18: {  	[sflag:s10] =	ssyncset.done $0x0  }
0x19: {  	[sflag:s10] =	ssyncadd.s32 $0xFFFFF800  }
0x1a: {  	s17 =	simm.s32 $0x2800;
	[bflag:$0x0] =	sbarrier.arrive $0xFFFF  }
0x1b: {  	[spmem:s3] =	stream.indirect.scatter.add.f32 [tilespmem:s13], [sflag:$0x1], $0x10, s17, s14, $0xb8;
	[tilespmem:$0x5800] =	vst v63  }
0x1c: {  	s24 =	simm.s32 $0x2880  }
0x1d: {  	[spmem:s3] =	stream.indirect.scatter.add.f32 [tilespmem:s13], [sflag:$0x1], $0x10, s24, s14, $0xb8;
	[tilespmem:$0x5800] =	vst v63  }
0x1e: {  	s25 =	simm.s32 $0x2900  }
0x1f: {  	[spmem:s3] =	stream.indirect.scatter.add.f32 [tilespmem:s13], [sflag:$0x1], $0x10, s25, s14, $0xb8;
	[tilespmem:$0x5800] =	vst v63  }
0x20: {  	s26 =	simm.s32 $0x2980  }
0x21: {  	[spmem:s3] =	stream.indirect.scatter.add.f32 [tilespmem:s13], [sflag:$0x1], $0x10, s26, s14, $0xb8;
	[tilespmem:$0x5800] =	vst v63  }
0x22: {  	s28 =	simm.s32 $0x2A00  }
0x23: {  	[spmem:s3] =	stream.indirect.scatter.add.f32 [tilespmem:s13], [sflag:$0x1], $0x10, s28, s14, $0xb8;
	[tilespmem:$0x5800] =	vst v63  }
0x24: {  	s29 =	simm.s32 $0x2A80  }
0x25: {  	[spmem:s3] =	stream.indirect.scatter.add.f32 [tilespmem:s13], [sflag:$0x1], $0x10, s29, s14, $0xb8;
	[tilespmem:$0x5800] =	vst v63  }
0x26: {  	s30 =	simm.s32 $0x2B00  }
0x27: {  	[spmem:s3] =	stream.indirect.scatter.add.f32 [tilespmem:s13], [sflag:$0x1], $0x10, s30, s14, $0xb8;
	[tilespmem:$0x5800] =	vst v63  }
0x28: {  	s31 =	simm.s32 $0x2B80  }
0x29: {  	[spmem:s3] =	stream.indirect.scatter.add.f32 [tilespmem:s13], [sflag:$0x1], $0x10, s31, s14, $0xb8;
	[tilespmem:$0x5800] =	vst v63  }
0x2a: {  	_ =	swait.ge [sflag:s15], $0x800  }
0x2b: {  	[sflag:s15] =	ssyncset.done $0x0  }
0x2c: {  	[sflag:s15] =	ssyncadd.s32 $0xFFFFF800  }
0x2d: {  	_ =	swait.ge [sflag:s15], $0x800  }
0x2e: {  	[sflag:s15] =	ssyncset.done $0x0  }
0x2f: {  	[sflag:s15] =	ssyncadd.s32 $0xFFFFF800  }
0x30: {  	_ =	swait.ge [sflag:s15], $0x800  }
0x31: {  	[sflag:s15] =	ssyncset.done $0x0  }
0x32: {  	[sflag:s15] =	ssyncadd.s32 $0xFFFFF800  }
0x33: {  	_ =	swait.ge [sflag:s15], $0x800  }
0x34: {  	[sflag:s15] =	ssyncset.done $0x0  }
0x35: {  	[sflag:s15] =	ssyncadd.s32 $0xFFFFF800  }
0x36: {  	_ =	swait.ge [sflag:s15], $0x800  }
0x37: {  	[sflag:s15] =	ssyncset.done $0x0  }
0x38: {  	[sflag:s15] =	ssyncadd.s32 $0xFFFFF800  }
0x39: {  	_ =	swait.ge [sflag:s15], $0x800  }
0x3a: {  	[sflag:s15] =	ssyncset.done $0x0  }
0x3b: {  	[sflag:s15] =	ssyncadd.s32 $0xFFFFF800  }
0x3c: {  	_ =	swait.ge [sflag:s15], $0x800  }
0x3d: {  	[sflag:s15] =	ssyncset.done $0x0  }
0x3e: {  	[sflag:s15] =	ssyncadd.s32 $0xFFFFF800  }
0x3f: {  	_ =	swait.ge [sflag:s15], $0x800  }
0x40: {  	s20 =	simm.s32 $0x2000;
	s19 =	simm.s32 $0x400;
	[sflag:s15] =	ssyncset.done $0x0  }
.LBB2_2:
0x41: {  	s21 =	sadd.s32 $0x2800, s19  }
0x42: {  	[sflag:s15] =	ssyncadd.s32 $0xFFFFF800;
	s18 =	smov.u32 s20;
	s17 =	sadd.s32 $0x1000, s20  }
0x43: {  	[spmem:s3] =	stream.indirect.scatter.add.f32 [tilespmem:s13], [sflag:$0x1], $0x10, s21, s14, $0xb8;
	[tilespmem:$0x5800] =	vst v63  }
0x44: {  	p0 =	sne.s32 s20, $0x9000;
	s20 =	sadd.s32 $0x2880, s19  }
0x45: {  	[spmem:s3] =	stream.indirect.scatter.add.f32 [tilespmem:s13], [sflag:$0x1], $0x10, s20, s14, $0xb8;
	[tilespmem:$0x5800] =	vst v63  }
0x46: {  	s20 =	sadd.s32 $0x2900, s19  }
0x47: {  	[spmem:s3] =	stream.indirect.scatter.add.f32 [tilespmem:s13], [sflag:$0x1], $0x10, s20, s14, $0xb8;
	[tilespmem:$0x5800] =	vst v63  }
0x48: {  	s20 =	sadd.s32 $0x2980, s19  }
0x49: {  	[spmem:s3] =	stream.indirect.scatter.add.f32 [tilespmem:s13], [sflag:$0x1], $0x10, s20, s14, $0xb8;
	[tilespmem:$0x5800] =	vst v63  }
0x4a: {  	s20 =	sadd.s32 $0x2A00, s19  }
0x4b: {  	[spmem:s3] =	stream.indirect.scatter.add.f32 [tilespmem:s13], [sflag:$0x1], $0x10, s20, s14, $0xb8;
	[tilespmem:$0x5800] =	vst v63  }
0x4c: {  	s20 =	sadd.s32 $0x2A80, s19  }
0x4d: {  	[spmem:s3] =	stream.indirect.scatter.add.f32 [tilespmem:s13], [sflag:$0x1], $0x10, s20, s14, $0xb8;
	[tilespmem:$0x5800] =	vst v63  }
0x4e: {  	s20 =	sadd.s32 $0x2B00, s19  }
0x4f: {  	[spmem:s3] =	stream.indirect.scatter.add.f32 [tilespmem:s13], [sflag:$0x1], $0x10, s20, s14, $0xb8;
	[tilespmem:$0x5800] =	vst v63  }
0x50: {  	s19 =	sadd.s32 $0x2B80, s19  }
0x51: {  	[spmem:s3] =	stream.indirect.scatter.add.f32 [tilespmem:s13], [sflag:$0x1], $0x10, s19, s14, $0xb8;
	[tilespmem:$0x5800] =	vst v63  }
0x52: {  	_ =	swait.ge [sflag:s15], $0x800  }
0x53: {  	[sflag:s15] =	ssyncset.done $0x0  }
0x54: {  	[sflag:s15] =	ssyncadd.s32 $0xFFFFF800  }
0x55: {  	_ =	swait.ge [sflag:s15], $0x800  }
0x56: {  	[sflag:s15] =	ssyncset.done $0x0  }
0x57: {  	[sflag:s15] =	ssyncadd.s32 $0xFFFFF800  }
0x58: {  	_ =	swait.ge [sflag:s15], $0x800  }
0x59: {  	[sflag:s15] =	ssyncset.done $0x0  }
0x5a: {  	[sflag:s15] =	ssyncadd.s32 $0xFFFFF800  }
0x5b: {  	_ =	swait.ge [sflag:s15], $0x800  }
0x5c: {  	[sflag:s15] =	ssyncset.done $0x0  }
0x5d: {  	[sflag:s15] =	ssyncadd.s32 $0xFFFFF800  }
0x5e: {  	_ =	swait.ge [sflag:s15], $0x800  }
0x5f: {  	[sflag:s15] =	ssyncset.done $0x0  }
0x60: {  	[sflag:s15] =	ssyncadd.s32 $0xFFFFF800  }
0x61: {  	_ =	swait.ge [sflag:s15], $0x800  }
0x62: {  	[sflag:s15] =	ssyncset.done $0x0  }
0x63: {  	[sflag:s15] =	ssyncadd.s32 $0xFFFFF800  }
.Ltmp0:
0x64: {  	_ =	swait.ge [sflag:s15], $0x800;
	(pc) =	sbr.rel @p0 .LBB2_2-.Ltmp0, $4  }
0x65: {  	[sflag:s15] =	ssyncset.done $0x0  }
0x66: {  	[sflag:s15] =	ssyncadd.s32 $0xFFFFF800  }
0x67: {  	_ =	swait.ge [sflag:s15], $0x800  }
0x68: {  	s20 =	smov.u32 s17;
	s19 =	sshra.s32 s18, $0x2;
	[sflag:s15] =	ssyncset.done $0x0  }
0x69: {  	s17 =	sadd.s32 $0x2800, s19;
	[sflag:s15] =	ssyncadd.s32 $0xFFFFF800  }
0x6a: {  	[spmem:s3] =	stream.indirect.scatter.add.f32 [tilespmem:s13], [sflag:$0x1], $0x10, s17, s14, $0xb8;
	[tilespmem:$0x5800] =	vst v63  }
0x6b: {  	s24 =	sadd.s32 $0x2880, s19  }
0x6c: {  	[spmem:s3] =	stream.indirect.scatter.add.f32 [tilespmem:s13], [sflag:$0x1], $0x10, s24, s14, $0xb8;
	[tilespmem:$0x5800] =	vst v63  }
0x6d: {  	s25 =	sadd.s32 $0x2900, s19  }
0x6e: {  	[spmem:s3] =	stream.indirect.scatter.add.f32 [tilespmem:s13], [sflag:$0x1], $0x10, s25, s14, $0xb8;
	[tilespmem:$0x5800] =	vst v63  }
0x6f: {  	s26 =	sadd.s32 $0x2980, s19  }
0x70: {  	[spmem:s3] =	stream.indirect.scatter.add.f32 [tilespmem:s13], [sflag:$0x1], $0x10, s26, s14, $0xb8;
	[tilespmem:$0x5800] =	vst v63  }
0x71: {  	s28 =	sadd.s32 $0x2A00, s19  }
0x72: {  	[spmem:s3] =	stream.indirect.scatter.add.f32 [tilespmem:s13], [sflag:$0x1], $0x10, s28, s14, $0xb8;
	[tilespmem:$0x5800] =	vst v63  }
0x73: {  	s29 =	sadd.s32 $0x2A80, s19  }
0x74: {  	[spmem:s3] =	stream.indirect.scatter.add.f32 [tilespmem:s13], [sflag:$0x1], $0x10, s29, s14, $0xb8;
	[tilespmem:$0x5800] =	vst v63  }
0x75: {  	s30 =	sadd.s32 $0x2B00, s19  }
0x76: {  	[spmem:s3] =	stream.indirect.scatter.add.f32 [tilespmem:s13], [sflag:$0x1], $0x10, s30, s14, $0xb8;
	[tilespmem:$0x5800] =	vst v63  }
0x77: {  	s31 =	sadd.s32 $0x2B80, s19  }
0x78: {  	[spmem:s3] =	stream.indirect.scatter.add.f32 [tilespmem:s13], [sflag:$0x1], $0x10, s31, s14, $0xb8;
	[tilespmem:$0x5800] =	vst v63  }
0x79: {  	_ =	swait.ge [sflag:s15], $0x800  }
0x7a: {  	[sflag:s15] =	ssyncset.done $0x0  }
0x7b: {  	[sflag:s15] =	ssyncadd.s32 $0xFFFFF800  }
0x7c: {  	_ =	swait.ge [sflag:s15], $0x800  }
0x7d: {  	[sflag:s15] =	ssyncset.done $0x0  }
0x7e: {  	[sflag:s15] =	ssyncadd.s32 $0xFFFFF800  }
0x7f: {  	_ =	swait.ge [sflag:s15], $0x800  }
0x80: {  	[sflag:s15] =	ssyncset.done $0x0  }
0x81: {  	[sflag:s15] =	ssyncadd.s32 $0xFFFFF800  }
0x82: {  	_ =	swait.ge [sflag:s15], $0x800  }
0x83: {  	[sflag:s15] =	ssyncset.done $0x0  }
0x84: {  	[sflag:s15] =	ssyncadd.s32 $0xFFFFF800  }
0x85: {  	_ =	swait.ge [sflag:s15], $0x800  }
0x86: {  	[sflag:s15] =	ssyncset.done $0x0  }
0x87: {  	[sflag:s15] =	ssyncadd.s32 $0xFFFFF800  }
0x88: {  	_ =	swait.ge [sflag:s15], $0x800  }
0x89: {  	[sflag:s15] =	ssyncset.done $0x0  }
0x8a: {  	[sflag:s15] =	ssyncadd.s32 $0xFFFFF800  }
0x8b: {  	_ =	swait.ge [sflag:s15], $0x800  }
0x8c: {  	[sflag:s15] =	ssyncset.done $0x0  }
0x8d: {  	[sflag:s15] =	ssyncadd.s32 $0xFFFFF800  }
0x8e: {  	_ =	swait.ge [sflag:s15], $0x800  }
0x8f: {  	s16 =	sadd.s32 $0x1, s16;
	[sflag:s15] =	ssyncset.done $0x0  }
0x90: {  	p0 =	sne.s32 s16, s8;
	[sflag:s15] =	ssyncadd.s32 $0xFFFFF800  }
.Ltmp1:
0x91: {  	[bflag:$0x0] =	sbarrier.arrive $0xFFFF;
	(pc) =	sbr.rel @p0 .LBB2_1-.Ltmp1, $4  }
0x92: {  	[hbm:s7], [sflag:s11] =	dma.local [spmem:s12], $0x500  }
0x93: {  	_ =	swait.ge [sflag:s10], $0x500  }
0x94: {  	[sflag:s10] =	ssyncset.done $0x0  }
0x95: {  	[sflag:s10] =	ssyncadd.s32 $0xFFFFFB00  }
0x96: {  	_ =	sfence.sel $0x180000  }
0x97: {  	[bflag:$0x0] =	sbarrier.arrive $0xFFFF  }
0x98: {  	p0 =	sne.s32 s0, $0x0;
	_ =	strace $0x90000047  }
0x99: {  	s0 =	sadd.s32 @!p0 $0x100000, s1;
	[bflag:$0x2] =	sbarrier.arrive $0xFFFF  }
0x9a: {  	[sflag:s0] =	ssyncadd.tile.s32 @!p0 $0x1;
	_ =	shalt  }
.Lfunc_end2:
_tile_overlayer_lowered:
.L_overlay_start_2:
0x9b: {  	(tag) =	ssettag $0x2  }
0x9c: {  	s0 =	rddreg [dreg:$0x0];
	s2 =	stileid.u32  }
0x9d: {  	s1 =	rddreg [dreg:$0x1];
	p0 =	sne.s32 s2, $0x0  }
0x9e: {  	s3 =	rddreg [dreg:$0x2];
	[bflag:$0x3] =	sbarrier.arrive $0xFFFF;
	s2 =	simm.s32 @!p0 $0x1C02  }
0x9f: {  	[timem:s3], [sflag:s2] =	dma.local @!p0 [hbm:s0], s1  }
0xa0: {  	s0 =	simm.s32 @!p0 $0x2  }
0xa1: {  	_ =	swait.ge @!p0 [sflag:s0], s1  }
0xa2: {  	s1 =	ssub.s32 @!p0 $0x0, s1;
	[sflag:s0] =	ssyncset.done @!p0 $0x0  }
0xa3: {  	[sflag:s0] =	ssyncadd.s32 @!p0 s1  }
0xa4: {  	[bflag:$0x3] =	sbarrier.arrive $0xFFFF  }
0xa5: {  	_ =	shalt  }

</sc_bundles>
